<compile_context>
chip_gen: v7x
topology: tpu7x:2x2x1
jax: 0.10.2.dev20260603
libtpu: 0.0.44.dev20260713+nightly
codegen_flags: <defaults>
</compile_context>

<pallas_src>
import functools

import jax
import jax.numpy as jnp
from jax import lax
from jax.experimental import pallas as pl
from jax.experimental.pallas import tpu as pltpu
from jax.experimental.pallas import tpu_sc as plsc

_MARGIN = 0.25
_GAMMA = 64.0
_B = 1024
_N = 100000
_H = 2000
_NBLK = _N // _H
_LOG2E = 1.4426950408889634
_LN2 = 0.6931471805599453
_C0 = _GAMMA * _MARGIN * _MARGIN * _LOG2E
_CS = 9.60897927029168
_NEG = -1e30

_SC_NC = 2
_SC_NS = 16
_SC_NW = _SC_NC * _SC_NS
_SC_BPW = _B // _SC_NW


def _sc_gather_body(feat_hbm, tgt_hbm, out_hbm, tgt_v, rows_v, vals_v, sem):
    wid = lax.axis_index("s") * _SC_NC + lax.axis_index("c")
    base = wid * _SC_BPW
    pltpu.sync_copy(tgt_hbm.at[pl.ds(base, _SC_BPW)], tgt_v)
    pltpu.async_copy(feat_hbm.at[tgt_v], rows_v, sem).wait()
    iota = lax.iota(jnp.int32, 16)
    for half in range(_SC_BPW // 16):
        acc = jnp.zeros((16,), jnp.float32)
        for l in range(16):
            j = 16 * half + l
            v = rows_v[j, pl.ds(base + 16 * half, 16)]
            acc = jnp.where(iota == l, v, acc)
        vals_v[pl.ds(16 * half, 16)] = acc
    pltpu.sync_copy(vals_v, out_hbm.at[pl.ds(base, _SC_BPW)])


@functools.lru_cache(maxsize=1)
def _sc_gather():
    return functools.partial(
        pl.kernel,
        mesh=plsc.VectorSubcoreMesh(core_axis_name="c", subcore_axis_name="s"),
        out_type=jax.ShapeDtypeStruct((_B,), jnp.float32),
        scratch_types=[
            pltpu.VMEM((_SC_BPW,), jnp.int32),
            pltpu.VMEM((_SC_BPW, _B), jnp.float32),
            pltpu.VMEM((_SC_BPW,), jnp.float32),
            pltpu.SemaphoreType.DMA,
        ],
    )(_sc_gather_body)


def _dense_body(tgt_ref, feat_ref, m_ref, s_ref, mx_ref):
    c = pl.program_id(0)

    @pl.when(c == 0)
    def _init():
        m_ref[...] = jnp.full((1, _B), _C0, jnp.float32)
        s_ref[...] = jnp.zeros((1, _B), jnp.float32)
        mx_ref[...] = jnp.full((1, _B), _NEG, jnp.float32)

    x = feat_ref[...]
    iota = lax.broadcasted_iota(jnp.int32, (_H, _B), 0)
    tsh = tgt_ref[...] - c * _H
    xm = jnp.where(iota == tsh, _NEG, x)
    mx_new = jnp.maximum(mx_ref[...], jnp.max(xm, axis=0, keepdims=True))
    yb = jnp.maximum(mx_new, _MARGIN) * _CS
    m_new = yb * yb
    y = jnp.maximum(xm, -_MARGIN) * _CS
    s_ref[...] = s_ref[...] * jnp.exp2(m_ref[...] - m_new) + jnp.sum(
        jnp.exp2(y * y - m_new), axis=0, keepdims=True
    )
    m_ref[...] = m_new
    mx_ref[...] = mx_new


def _dense_call(tgt, feat_t, interpret=False):
    return pl.pallas_call(
        _dense_body,
        grid=(_NBLK,),
        in_specs=[
            pl.BlockSpec((1, _B), lambda c: (0, 0)),
            pl.BlockSpec((_H, _B), lambda c: (c, 0)),
        ],
        out_specs=[
            pl.BlockSpec((1, _B), lambda c: (0, 0)),
            pl.BlockSpec((1, _B), lambda c: (0, 0)),
        ],
        out_shape=[
            jax.ShapeDtypeStruct((1, _B), jnp.float32),
            jax.ShapeDtypeStruct((1, _B), jnp.float32),
        ],
        scratch_shapes=[pltpu.VMEM((1, _B), jnp.float32)],
        interpret=interpret,
    )(tgt, feat_t)


def _combine_body(m_ref, s_ref, tv_ref, out_ref):
    tv = tv_ref[...]
    fin_t = jnp.maximum(1.0 + _MARGIN - tv, 0.0) * ((tv - (1.0 - _MARGIN)) * _GAMMA)
    h_t = fin_t * _LOG2E + _C0
    m = m_ref[...]
    s = s_ref[...]
    big = jnp.maximum(m, h_t)
    tot = s * jnp.exp2(m - big) + jnp.exp2(h_t - big)
    lse = (big - _C0 + jnp.log2(tot)) * _LN2
    out_ref[...] = jnp.mean(lse - fin_t).reshape(1, 1)


def _combine_call(m, s, tv, interpret=False):
    return pl.pallas_call(
        _combine_body,
        out_shape=jax.ShapeDtypeStruct((1, 1), jnp.float32),
        interpret=interpret,
    )(m, s, tv)


@jax.jit
def kernel(feat, target):
    tgt1d = target.astype(jnp.int32)
    feat_t = feat.T
    tv = _sc_gather()(feat_t, tgt1d).reshape(1, _B)
    m, s = _dense_call(tgt1d.reshape(1, _B), feat_t)
    out = _combine_call(m, s, tv)
    return out[0, 0]

# --- scband reference (transcript-rebuilt; emitter-appended) ---
"""Pipeline reference for scband-rzloss-77429670412900 (READ-ONLY COPY).

The authoritative reference and input builder live on the scoring server;
editing this copy changes nothing except your own understanding.
"""

import jax, jax.numpy as jnp
import numpy as np

MARGIN = 0.25
GAMMA = 64.0


def setup_inputs(seed: int = 0) -> dict:
    key = jax.random.key(seed)
    k1, k2 = jax.random.split(key)
    feat = jax.random.normal(k1, (1024, 100000), dtype=jnp.float32)
    target = jax.random.randint(k2, (1024,), 0, 100000, dtype=jnp.int64 if jax.config.jax_enable_x64 else jnp.int32).astype(jnp.int32)
    return {"feat": feat, "target": target}


def reference(feat, target):
    B = feat.shape[0]
    tcol = target[:, None]
    # feat_vec = clamp_min(feat + margin, 0).detach()
    feat_vec = jax.lax.stop_gradient(jnp.maximum(feat + MARGIN, 0.0))
    # target_feat_values = -feat.gather(1, target) + 1 + margin
    target_feat_values = -jnp.take_along_axis(feat, tcol, axis=1) + 1.0 + MARGIN
    sp = jax.lax.stop_gradient(jnp.maximum(target_feat_values, 0.0))
    rows = jnp.arange(B)
    # feat_vec.scatter_(1, target, sp)
    feat_vec = feat_vec.at[rows, target].set(sp[:, 0])
    # sigma = ones_like(feat) * margin; sigma.scatter_(1, target, 1 - margin)
    sigma = jnp.full_like(feat, MARGIN).at[rows, target].set(1.0 - MARGIN)
    fin_vec = feat_vec * (feat - sigma) * GAMMA
    # cross entropy with mean reduction
    logp = jax.nn.log_softmax(fin_vec, axis=1)
    loss = -jnp.mean(jnp.take_along_axis(logp, tcol, axis=1))
    return loss

if __name__ == "__main__":
    import jax
    _d = setup_inputs()
    print(jax.jit(kernel)(*tuple(_d.values())))

</pallas_src>

<mosaic_0001>
#map = affine_map<(d0, d1) -> (0, 0)>
#map1 = affine_map<(d0, d1) -> (0)>
module attributes {stable_mosaic.version = 14 : i64} {
  func.func @_sc_gather_body(%arg0: i32, %arg1: i32, %arg2: memref<100000x1024xf32, #tpu.memory_space<hbm>>, %arg3: memref<1024xi32, #tpu.memory_space<hbm>>, %arg4: memref<1024xf32, #tpu.memory_space<hbm>>, %arg5: memref<32xi32, #tpu.memory_space<vmem>>, %arg6: memref<32x1024xf32, #tpu.memory_space<vmem>>, %arg7: memref<32xf32, #tpu.memory_space<vmem>>, %arg8: memref<!tpu.dma_semaphore, #tpu.memory_space<semaphore_mem>>) attributes {dimension_semantics = [#tpu.dimension_semantics<core_parallel>, #tpu.dimension_semantics<subcore_parallel>], iteration_bounds = array<i64: 2, 16>, scalar_prefetch = 0 : i64, scratch_operands = 4 : i64, tpu.core_type = #tpu.core_type<sc_vector_subcore>, window_params = [{transform_indices = #map}, {transform_indices = #map1}, {transform_indices = #map1}]} {
    %mul3A = arith.constant 2 : i32
    %mul3A_0 = arith.muli %arg1, %mul3A : i32
    %add3A = arith.addi %mul3A_0, %arg0 : i32
    %mul3A_1 = arith.constant 32 : i32
    %mul3A_2 = arith.muli %add3A, %mul3A_1 : i32
    "tpu.region"() ({
      %run_scoped3A = tpu.sem_alloc : memref<!tpu.dma_semaphore, #tpu.memory_space<semaphore_mem>>
      %dma_start3A_366 = tpu.memref_slice %arg3[%mul3A_2] : memref<1024xi32, #tpu.memory_space<hbm>> -> memref<32xi32, #tpu.memory_space<hbm>>
      %dma_start3A_367 = tpu.memref_slice %arg3[%mul3A_2] : memref<1024xi32, #tpu.memory_space<hbm>> -> memref<32xi32, #tpu.memory_space<hbm>>
      tpu.enqueue_dma source(%dma_start3A_367 : memref<32xi32, #tpu.memory_space<hbm>>) target(%arg5 : memref<32xi32, #tpu.memory_space<vmem>>) target_semaphore(%run_scoped3A : memref<!tpu.dma_semaphore, #tpu.memory_space<semaphore_mem>>)
      %dma_wait3A_368 = tpu.memref_slice %arg3[%mul3A_2] : memref<1024xi32, #tpu.memory_space<hbm>> -> memref<32xi32, #tpu.memory_space<hbm>>
      %dma_wait3A_369 = tpu.memref_slice %arg3[%mul3A_2] : memref<1024xi32, #tpu.memory_space<hbm>> -> memref<32xi32, #tpu.memory_space<hbm>>
      tpu.wait_dma2 semaphore(%run_scoped3A : memref<!tpu.dma_semaphore, #tpu.memory_space<semaphore_mem>>) src(%dma_wait3A_369 : memref<32xi32, #tpu.memory_space<hbm>>) dst(%arg5 : memref<32xi32, #tpu.memory_space<vmem>>)
      tpu.yield
    }) : () -> ()
    %dma_start3A = arith.constant 0 : i32
    %dma_start3A_3 = arith.constant 0 : i32
    %dma_start3A_4 = tpu.memref_slice %arg2[%dma_start3A, %dma_start3A_3] : memref<100000x1024xf32, #tpu.memory_space<hbm>> -> memref<100000x1024xf32, #tpu.memory_space<hbm>>
    tpu.enqueue_indirect_dma source(%dma_start3A_4 : memref<100000x1024xf32, #tpu.memory_space<hbm>>) target(%arg6 : memref<32x1024xf32, #tpu.memory_space<vmem>>) offsets(%arg5 : memref<32xi32, #tpu.memory_space<vmem>>) semaphore(%arg8 : memref<!tpu.dma_semaphore, #tpu.memory_space<semaphore_mem>>)
    %dma_wait3A = arith.constant 0 : i32
    %dma_wait3A_5 = arith.constant 0 : i32
    %dma_wait3A_6 = tpu.memref_slice %arg2[%dma_wait3A, %dma_wait3A_5] : memref<100000x1024xf32, #tpu.memory_space<hbm>> -> memref<100000x1024xf32, #tpu.memory_space<hbm>>
    tpu.wait_indirect_dma semaphore(%arg8 : memref<!tpu.dma_semaphore, #tpu.memory_space<semaphore_mem>>) src(%dma_wait3A_6 : memref<100000x1024xf32, #tpu.memory_space<hbm>>) dst(%arg6 : memref<32x1024xf32, #tpu.memory_space<vmem>>)
    %iota3A = tpu.iota {dimensions = array<i32: 0>} : vector<16xi32>
    %broadcast_in_dim3A = arith.constant 0.000000e+00 : f32
    %broadcast_in_dim3A_7 = vector.broadcast %broadcast_in_dim3A : f32 to vector<16xf32>
    %add3A_8 = arith.constant 0 : i32
    %add3A_9 = arith.addi %mul3A_2, %add3A_8 : i32
    %get3A = arith.constant 0 : i32
    %get3A_10 = arith.index_cast %get3A : i32 to index
    %get3A_11 = arith.index_cast %add3A_9 : i32 to index
    %get3A_12 = tpu.vector_load %arg6[%get3A_10, %get3A_11] {strides = array<i32>} : memref<32x1024xf32, #tpu.memory_space<vmem>>, vector<1x16xf32>,
    %get3A_13 = vector.shape_cast %get3A_12 : vector<1x16xf32> to vector<16xf32>
    %eq3A = arith.constant 0 : i32
    %eq3A_14 = vector.broadcast %eq3A : i32 to vector<16xi32>
    %eq3A_15 = arith.cmpi eq, %iota3A, %eq3A_14 : vector<16xi32>
    %select_n3A = arith.select %eq3A_15, %get3A_13, %broadcast_in_dim3A_7 : vector<16xi1>, vector<16xf32>
    %add3A_16 = arith.constant 0 : i32
    %add3A_17 = arith.addi %mul3A_2, %add3A_16 : i32
    %get3A_18 = arith.constant 1 : i32
    %get3A_19 = arith.index_cast %get3A_18 : i32 to index
    %get3A_20 = arith.index_cast %add3A_17 : i32 to index
    %get3A_21 = tpu.vector_load %arg6[%get3A_19, %get3A_20] {strides = array<i32>} : memref<32x1024xf32, #tpu.memory_space<vmem>>, vector<1x16xf32>,
    %get3A_22 = vector.shape_cast %get3A_21 : vector<1x16xf32> to vector<16xf32>
    %eq3A_23 = arith.constant 1 : i32
    %eq3A_24 = vector.broadcast %eq3A_23 : i32 to vector<16xi32>
    %eq3A_25 = arith.cmpi eq, %iota3A, %eq3A_24 : vector<16xi32>
    %select_n3A_26 = arith.select %eq3A_25, %get3A_22, %select_n3A : vector<16xi1>, vector<16xf32>
    %add3A_27 = arith.constant 0 : i32
    %add3A_28 = arith.addi %mul3A_2, %add3A_27 : i32
    %get3A_29 = arith.constant 2 : i32
    %get3A_30 = arith.index_cast %get3A_29 : i32 to index
    %get3A_31 = arith.index_cast %add3A_28 : i32 to index
    %get3A_32 = tpu.vector_load %arg6[%get3A_30, %get3A_31] {strides = array<i32>} : memref<32x1024xf32, #tpu.memory_space<vmem>>, vector<1x16xf32>,
    %get3A_33 = vector.shape_cast %get3A_32 : vector<1x16xf32> to vector<16xf32>
    %eq3A_34 = arith.constant 2 : i32
    %eq3A_35 = vector.broadcast %eq3A_34 : i32 to vector<16xi32>
    %eq3A_36 = arith.cmpi eq, %iota3A, %eq3A_35 : vector<16xi32>
    %select_n3A_37 = arith.select %eq3A_36, %get3A_33, %select_n3A_26 : vector<16xi1>, vector<16xf32>
    %add3A_38 = arith.constant 0 : i32
    %add3A_39 = arith.addi %mul3A_2, %add3A_38 : i32
    %get3A_40 = arith.constant 3 : i32
    %get3A_41 = arith.index_cast %get3A_40 : i32 to index
    %get3A_42 = arith.index_cast %add3A_39 : i32 to index
    %get3A_43 = tpu.vector_load %arg6[%get3A_41, %get3A_42] {strides = array<i32>} : memref<32x1024xf32, #tpu.memory_space<vmem>>, vector<1x16xf32>,
    %get3A_44 = vector.shape_cast %get3A_43 : vector<1x16xf32> to vector<16xf32>
    %eq3A_45 = arith.constant 3 : i32
    %eq3A_46 = vector.broadcast %eq3A_45 : i32 to vector<16xi32>
    %eq3A_47 = arith.cmpi eq, %iota3A, %eq3A_46 : vector<16xi32>
    %select_n3A_48 = arith.select %eq3A_47, %get3A_44, %select_n3A_37 : vector<16xi1>, vector<16xf32>
    %add3A_49 = arith.constant 0 : i32
    %add3A_50 = arith.addi %mul3A_2, %add3A_49 : i32
    %get3A_51 = arith.constant 4 : i32
    %get3A_52 = arith.index_cast %get3A_51 : i32 to index
    %get3A_53 = arith.index_cast %add3A_50 : i32 to index
    %get3A_54 = tpu.vector_load %arg6[%get3A_52, %get3A_53] {strides = array<i32>} : memref<32x1024xf32, #tpu.memory_space<vmem>>, vector<1x16xf32>,
    %get3A_55 = vector.shape_cast %get3A_54 : vector<1x16xf32> to vector<16xf32>
    %eq3A_56 = arith.constant 4 : i32
    %eq3A_57 = vector.broadcast %eq3A_56 : i32 to vector<16xi32>
    %eq3A_58 = arith.cmpi eq, %iota3A, %eq3A_57 : vector<16xi32>
    %select_n3A_59 = arith.select %eq3A_58, %get3A_55, %select_n3A_48 : vector<16xi1>, vector<16xf32>
    %add3A_60 = arith.constant 0 : i32
    %add3A_61 = arith.addi %mul3A_2, %add3A_60 : i32
    %get3A_62 = arith.constant 5 : i32
    %get3A_63 = arith.index_cast %get3A_62 : i32 to index
    %get3A_64 = arith.index_cast %add3A_61 : i32 to index
    %get3A_65 = tpu.vector_load %arg6[%get3A_63, %get3A_64] {strides = array<i32>} : memref<32x1024xf32, #tpu.memory_space<vmem>>, vector<1x16xf32>,
    %get3A_66 = vector.shape_cast %get3A_65 : vector<1x16xf32> to vector<16xf32>
    %eq3A_67 = arith.constant 5 : i32
    %eq3A_68 = vector.broadcast %eq3A_67 : i32 to vector<16xi32>
    %eq3A_69 = arith.cmpi eq, %iota3A, %eq3A_68 : vector<16xi32>
    %select_n3A_70 = arith.select %eq3A_69, %get3A_66, %select_n3A_59 : vector<16xi1>, vector<16xf32>
    %add3A_71 = arith.constant 0 : i32
    %add3A_72 = arith.addi %mul3A_2, %add3A_71 : i32
    %get3A_73 = arith.constant 6 : i32
    %get3A_74 = arith.index_cast %get3A_73 : i32 to index
    %get3A_75 = arith.index_cast %add3A_72 : i32 to index
    %get3A_76 = tpu.vector_load %arg6[%get3A_74, %get3A_75] {strides = array<i32>} : memref<32x1024xf32, #tpu.memory_space<vmem>>, vector<1x16xf32>,
    %get3A_77 = vector.shape_cast %get3A_76 : vector<1x16xf32> to vector<16xf32>
    %eq3A_78 = arith.constant 6 : i32
    %eq3A_79 = vector.broadcast %eq3A_78 : i32 to vector<16xi32>
    %eq3A_80 = arith.cmpi eq, %iota3A, %eq3A_79 : vector<16xi32>
    %select_n3A_81 = arith.select %eq3A_80, %get3A_77, %select_n3A_70 : vector<16xi1>, vector<16xf32>
    %add3A_82 = arith.constant 0 : i32
    %add3A_83 = arith.addi %mul3A_2, %add3A_82 : i32
    %get3A_84 = arith.constant 7 : i32
    %get3A_85 = arith.index_cast %get3A_84 : i32 to index
    %get3A_86 = arith.index_cast %add3A_83 : i32 to index
    %get3A_87 = tpu.vector_load %arg6[%get3A_85, %get3A_86] {strides = array<i32>} : memref<32x1024xf32, #tpu.memory_space<vmem>>, vector<1x16xf32>,
    %get3A_88 = vector.shape_cast %get3A_87 : vector<1x16xf32> to vector<16xf32>
    %eq3A_89 = arith.constant 7 : i32
    %eq3A_90 = vector.broadcast %eq3A_89 : i32 to vector<16xi32>
    %eq3A_91 = arith.cmpi eq, %iota3A, %eq3A_90 : vector<16xi32>
    %select_n3A_92 = arith.select %eq3A_91, %get3A_88, %select_n3A_81 : vector<16xi1>, vector<16xf32>
    %add3A_93 = arith.constant 0 : i32
    %add3A_94 = arith.addi %mul3A_2, %add3A_93 : i32
    %get3A_95 = arith.constant 8 : i32
    %get3A_96 = arith.index_cast %get3A_95 : i32 to index
    %get3A_97 = arith.index_cast %add3A_94 : i32 to index
    %get3A_98 = tpu.vector_load %arg6[%get3A_96, %get3A_97] {strides = array<i32>} : memref<32x1024xf32, #tpu.memory_space<vmem>>, vector<1x16xf32>,
    %get3A_99 = vector.shape_cast %get3A_98 : vector<1x16xf32> to vector<16xf32>
    %eq3A_100 = arith.constant 8 : i32
    %eq3A_101 = vector.broadcast %eq3A_100 : i32 to vector<16xi32>
    %eq3A_102 = arith.cmpi eq, %iota3A, %eq3A_101 : vector<16xi32>
    %select_n3A_103 = arith.select %eq3A_102, %get3A_99, %select_n3A_92 : vector<16xi1>, vector<16xf32>
    %add3A_104 = arith.constant 0 : i32
    %add3A_105 = arith.addi %mul3A_2, %add3A_104 : i32
    %get3A_106 = arith.constant 9 : i32
    %get3A_107 = arith.index_cast %get3A_106 : i32 to index
    %get3A_108 = arith.index_cast %add3A_105 : i32 to index
    %get3A_109 = tpu.vector_load %arg6[%get3A_107, %get3A_108] {strides = array<i32>} : memref<32x1024xf32, #tpu.memory_space<vmem>>, vector<1x16xf32>,
    %get3A_110 = vector.shape_cast %get3A_109 : vector<1x16xf32> to vector<16xf32>
    %eq3A_111 = arith.constant 9 : i32
    %eq3A_112 = vector.broadcast %eq3A_111 : i32 to vector<16xi32>
    %eq3A_113 = arith.cmpi eq, %iota3A, %eq3A_112 : vector<16xi32>
    %select_n3A_114 = arith.select %eq3A_113, %get3A_110, %select_n3A_103 : vector<16xi1>, vector<16xf32>
    %add3A_115 = arith.constant 0 : i32
    %add3A_116 = arith.addi %mul3A_2, %add3A_115 : i32
    %get3A_117 = arith.constant 10 : i32
    %get3A_118 = arith.index_cast %get3A_117 : i32 to index
    %get3A_119 = arith.index_cast %add3A_116 : i32 to index
    %get3A_120 = tpu.vector_load %arg6[%get3A_118, %get3A_119] {strides = array<i32>} : memref<32x1024xf32, #tpu.memory_space<vmem>>, vector<1x16xf32>,
    %get3A_121 = vector.shape_cast %get3A_120 : vector<1x16xf32> to vector<16xf32>
    %eq3A_122 = arith.constant 10 : i32
    %eq3A_123 = vector.broadcast %eq3A_122 : i32 to vector<16xi32>
    %eq3A_124 = arith.cmpi eq, %iota3A, %eq3A_123 : vector<16xi32>
    %select_n3A_125 = arith.select %eq3A_124, %get3A_121, %select_n3A_114 : vector<16xi1>, vector<16xf32>
    %add3A_126 = arith.constant 0 : i32
    %add3A_127 = arith.addi %mul3A_2, %add3A_126 : i32
    %get3A_128 = arith.constant 11 : i32
    %get3A_129 = arith.index_cast %get3A_128 : i32 to index
    %get3A_130 = arith.index_cast %add3A_127 : i32 to index
    %get3A_131 = tpu.vector_load %arg6[%get3A_129, %get3A_130] {strides = array<i32>} : memref<32x1024xf32, #tpu.memory_space<vmem>>, vector<1x16xf32>,
    %get3A_132 = vector.shape_cast %get3A_131 : vector<1x16xf32> to vector<16xf32>
    %eq3A_133 = arith.constant 11 : i32
    %eq3A_134 = vector.broadcast %eq3A_133 : i32 to vector<16xi32>
    %eq3A_135 = arith.cmpi eq, %iota3A, %eq3A_134 : vector<16xi32>
    %select_n3A_136 = arith.select %eq3A_135, %get3A_132, %select_n3A_125 : vector<16xi1>, vector<16xf32>
    %add3A_137 = arith.constant 0 : i32
    %add3A_138 = arith.addi %mul3A_2, %add3A_137 : i32
    %get3A_139 = arith.constant 12 : i32
    %get3A_140 = arith.index_cast %get3A_139 : i32 to index
    %get3A_141 = arith.index_cast %add3A_138 : i32 to index
    %get3A_142 = tpu.vector_load %arg6[%get3A_140, %get3A_141] {strides = array<i32>} : memref<32x1024xf32, #tpu.memory_space<vmem>>, vector<1x16xf32>,
    %get3A_143 = vector.shape_cast %get3A_142 : vector<1x16xf32> to vector<16xf32>
    %eq3A_144 = arith.constant 12 : i32
    %eq3A_145 = vector.broadcast %eq3A_144 : i32 to vector<16xi32>
    %eq3A_146 = arith.cmpi eq, %iota3A, %eq3A_145 : vector<16xi32>
    %select_n3A_147 = arith.select %eq3A_146, %get3A_143, %select_n3A_136 : vector<16xi1>, vector<16xf32>
    %add3A_148 = arith.constant 0 : i32
    %add3A_149 = arith.addi %mul3A_2, %add3A_148 : i32
    %get3A_150 = arith.constant 13 : i32
    %get3A_151 = arith.index_cast %get3A_150 : i32 to index
    %get3A_152 = arith.index_cast %add3A_149 : i32 to index
    %get3A_153 = tpu.vector_load %arg6[%get3A_151, %get3A_152] {strides = array<i32>} : memref<32x1024xf32, #tpu.memory_space<vmem>>, vector<1x16xf32>,
    %get3A_154 = vector.shape_cast %get3A_153 : vector<1x16xf32> to vector<16xf32>
    %eq3A_155 = arith.constant 13 : i32
    %eq3A_156 = vector.broadcast %eq3A_155 : i32 to vector<16xi32>
    %eq3A_157 = arith.cmpi eq, %iota3A, %eq3A_156 : vector<16xi32>
    %select_n3A_158 = arith.select %eq3A_157, %get3A_154, %select_n3A_147 : vector<16xi1>, vector<16xf32>
    %add3A_159 = arith.constant 0 : i32
    %add3A_160 = arith.addi %mul3A_2, %add3A_159 : i32
    %get3A_161 = arith.constant 14 : i32
    %get3A_162 = arith.index_cast %get3A_161 : i32 to index
    %get3A_163 = arith.index_cast %add3A_160 : i32 to index
    %get3A_164 = tpu.vector_load %arg6[%get3A_162, %get3A_163] {strides = array<i32>} : memref<32x1024xf32, #tpu.memory_space<vmem>>, vector<1x16xf32>,
    %get3A_165 = vector.shape_cast %get3A_164 : vector<1x16xf32> to vector<16xf32>
    %eq3A_166 = arith.constant 14 : i32
    %eq3A_167 = vector.broadcast %eq3A_166 : i32 to vector<16xi32>
    %eq3A_168 = arith.cmpi eq, %iota3A, %eq3A_167 : vector<16xi32>
    %select_n3A_169 = arith.select %eq3A_168, %get3A_165, %select_n3A_158 : vector<16xi1>, vector<16xf32>
    %add3A_170 = arith.constant 0 : i32
    %add3A_171 = arith.addi %mul3A_2, %add3A_170 : i32
    %get3A_172 = arith.constant 15 : i32
    %get3A_173 = arith.index_cast %get3A_172 : i32 to index
    %get3A_174 = arith.index_cast %add3A_171 : i32 to index
    %get3A_175 = tpu.vector_load %arg6[%get3A_173, %get3A_174] {strides = array<i32>} : memref<32x1024xf32, #tpu.memory_space<vmem>>, vector<1x16xf32>,
    %get3A_176 = vector.shape_cast %get3A_175 : vector<1x16xf32> to vector<16xf32>
    %eq3A_177 = arith.constant 15 : i32
    %eq3A_178 = vector.broadcast %eq3A_177 : i32 to vector<16xi32>
    %eq3A_179 = arith.cmpi eq, %iota3A, %eq3A_178 : vector<16xi32>
    %select_n3A_180 = arith.select %eq3A_179, %get3A_176, %select_n3A_169 : vector<16xi1>, vector<16xf32>
    %swap3A = arith.constant 0 : index
    %swap3A_181 = tpu.vector_load %arg7[%swap3A] {strides = array<i32>} : memref<32xf32, #tpu.memory_space<vmem>>, vector<16xf32>,
    %swap3A_182 = vector.shape_cast %swap3A_181 : vector<16xf32> to vector<16xf32>
    %swap3A_183 = vector.shape_cast %select_n3A_180 : vector<16xf32> to vector<16xf32>
    tpu.vector_store %arg7[%swap3A], %swap3A_183 {strides = array<i32>} : memref<32xf32, #tpu.memory_space<vmem>>, vector<16xf32>,
    %broadcast_in_dim3A_184 = arith.constant 0.000000e+00 : f32
    %broadcast_in_dim3A_185 = vector.broadcast %broadcast_in_dim3A_184 : f32 to vector<16xf32>
    %add3A_186 = arith.constant 16 : i32
    %add3A_187 = arith.addi %mul3A_2, %add3A_186 : i32
    %get3A_188 = arith.constant 16 : i32
    %get3A_189 = arith.index_cast %get3A_188 : i32 to index
    %get3A_190 = arith.index_cast %add3A_187 : i32 to index
    %get3A_191 = tpu.vector_load %arg6[%get3A_189, %get3A_190] {strides = array<i32>} : memref<32x1024xf32, #tpu.memory_space<vmem>>, vector<1x16xf32>,
    %get3A_192 = vector.shape_cast %get3A_191 : vector<1x16xf32> to vector<16xf32>
    %eq3A_193 = arith.constant 0 : i32
    %eq3A_194 = vector.broadcast %eq3A_193 : i32 to vector<16xi32>
    %eq3A_195 = arith.cmpi eq, %iota3A, %eq3A_194 : vector<16xi32>
    %select_n3A_196 = arith.select %eq3A_195, %get3A_192, %broadcast_in_dim3A_185 : vector<16xi1>, vector<16xf32>
    %add3A_197 = arith.constant 16 : i32
    %add3A_198 = arith.addi %mul3A_2, %add3A_197 : i32
    %get3A_199 = arith.constant 17 : i32
    %get3A_200 = arith.index_cast %get3A_199 : i32 to index
    %get3A_201 = arith.index_cast %add3A_198 : i32 to index
    %get3A_202 = tpu.vector_load %arg6[%get3A_200, %get3A_201] {strides = array<i32>} : memref<32x1024xf32, #tpu.memory_space<vmem>>, vector<1x16xf32>,
    %get3A_203 = vector.shape_cast %get3A_202 : vector<1x16xf32> to vector<16xf32>
    %eq3A_204 = arith.constant 1 : i32
    %eq3A_205 = vector.broadcast %eq3A_204 : i32 to vector<16xi32>
    %eq3A_206 = arith.cmpi eq, %iota3A, %eq3A_205 : vector<16xi32>
    %select_n3A_207 = arith.select %eq3A_206, %get3A_203, %select_n3A_196 : vector<16xi1>, vector<16xf32>
    %add3A_208 = arith.constant 16 : i32
    %add3A_209 = arith.addi %mul3A_2, %add3A_208 : i32
    %get3A_210 = arith.constant 18 : i32
    %get3A_211 = arith.index_cast %get3A_210 : i32 to index
    %get3A_212 = arith.index_cast %add3A_209 : i32 to index
    %get3A_213 = tpu.vector_load %arg6[%get3A_211, %get3A_212] {strides = array<i32>} : memref<32x1024xf32, #tpu.memory_space<vmem>>, vector<1x16xf32>,
    %get3A_214 = vector.shape_cast %get3A_213 : vector<1x16xf32> to vector<16xf32>
    %eq3A_215 = arith.constant 2 : i32
    %eq3A_216 = vector.broadcast %eq3A_215 : i32 to vector<16xi32>
    %eq3A_217 = arith.cmpi eq, %iota3A, %eq3A_216 : vector<16xi32>
    %select_n3A_218 = arith.select %eq3A_217, %get3A_214, %select_n3A_207 : vector<16xi1>, vector<16xf32>
    %add3A_219 = arith.constant 16 : i32
    %add3A_220 = arith.addi %mul3A_2, %add3A_219 : i32
    %get3A_221 = arith.constant 19 : i32
    %get3A_222 = arith.index_cast %get3A_221 : i32 to index
    %get3A_223 = arith.index_cast %add3A_220 : i32 to index
    %get3A_224 = tpu.vector_load %arg6[%get3A_222, %get3A_223] {strides = array<i32>} : memref<32x1024xf32, #tpu.memory_space<vmem>>, vector<1x16xf32>,
    %get3A_225 = vector.shape_cast %get3A_224 : vector<1x16xf32> to vector<16xf32>
    %eq3A_226 = arith.constant 3 : i32
    %eq3A_227 = vector.broadcast %eq3A_226 : i32 to vector<16xi32>
    %eq3A_228 = arith.cmpi eq, %iota3A, %eq3A_227 : vector<16xi32>
    %select_n3A_229 = arith.select %eq3A_228, %get3A_225, %select_n3A_218 : vector<16xi1>, vector<16xf32>
    %add3A_230 = arith.constant 16 : i32
    %add3A_231 = arith.addi %mul3A_2, %add3A_230 : i32
    %get3A_232 = arith.constant 20 : i32
    %get3A_233 = arith.index_cast %get3A_232 : i32 to index
    %get3A_234 = arith.index_cast %add3A_231 : i32 to index
    %get3A_235 = tpu.vector_load %arg6[%get3A_233, %get3A_234] {strides = array<i32>} : memref<32x1024xf32, #tpu.memory_space<vmem>>, vector<1x16xf32>,
    %get3A_236 = vector.shape_cast %get3A_235 : vector<1x16xf32> to vector<16xf32>
    %eq3A_237 = arith.constant 4 : i32
    %eq3A_238 = vector.broadcast %eq3A_237 : i32 to vector<16xi32>
    %eq3A_239 = arith.cmpi eq, %iota3A, %eq3A_238 : vector<16xi32>
    %select_n3A_240 = arith.select %eq3A_239, %get3A_236, %select_n3A_229 : vector<16xi1>, vector<16xf32>
    %add3A_241 = arith.constant 16 : i32
    %add3A_242 = arith.addi %mul3A_2, %add3A_241 : i32
    %get3A_243 = arith.constant 21 : i32
    %get3A_244 = arith.index_cast %get3A_243 : i32 to index
    %get3A_245 = arith.index_cast %add3A_242 : i32 to index
    %get3A_246 = tpu.vector_load %arg6[%get3A_244, %get3A_245] {strides = array<i32>} : memref<32x1024xf32, #tpu.memory_space<vmem>>, vector<1x16xf32>,
    %get3A_247 = vector.shape_cast %get3A_246 : vector<1x16xf32> to vector<16xf32>
    %eq3A_248 = arith.constant 5 : i32
    %eq3A_249 = vector.broadcast %eq3A_248 : i32 to vector<16xi32>
    %eq3A_250 = arith.cmpi eq, %iota3A, %eq3A_249 : vector<16xi32>
    %select_n3A_251 = arith.select %eq3A_250, %get3A_247, %select_n3A_240 : vector<16xi1>, vector<16xf32>
    %add3A_252 = arith.constant 16 : i32
    %add3A_253 = arith.addi %mul3A_2, %add3A_252 : i32
    %get3A_254 = arith.constant 22 : i32
    %get3A_255 = arith.index_cast %get3A_254 : i32 to index
    %get3A_256 = arith.index_cast %add3A_253 : i32 to index
    %get3A_257 = tpu.vector_load %arg6[%get3A_255, %get3A_256] {strides = array<i32>} : memref<32x1024xf32, #tpu.memory_space<vmem>>, vector<1x16xf32>,
    %get3A_258 = vector.shape_cast %get3A_257 : vector<1x16xf32> to vector<16xf32>
    %eq3A_259 = arith.constant 6 : i32
    %eq3A_260 = vector.broadcast %eq3A_259 : i32 to vector<16xi32>
    %eq3A_261 = arith.cmpi eq, %iota3A, %eq3A_260 : vector<16xi32>
    %select_n3A_262 = arith.select %eq3A_261, %get3A_258, %select_n3A_251 : vector<16xi1>, vector<16xf32>
    %add3A_263 = arith.constant 16 : i32
    %add3A_264 = arith.addi %mul3A_2, %add3A_263 : i32
    %get3A_265 = arith.constant 23 : i32
    %get3A_266 = arith.index_cast %get3A_265 : i32 to index
    %get3A_267 = arith.index_cast %add3A_264 : i32 to index
    %get3A_268 = tpu.vector_load %arg6[%get3A_266, %get3A_267] {strides = array<i32>} : memref<32x1024xf32, #tpu.memory_space<vmem>>, vector<1x16xf32>,
    %get3A_269 = vector.shape_cast %get3A_268 : vector<1x16xf32> to vector<16xf32>
    %eq3A_270 = arith.constant 7 : i32
    %eq3A_271 = vector.broadcast %eq3A_270 : i32 to vector<16xi32>
    %eq3A_272 = arith.cmpi eq, %iota3A, %eq3A_271 : vector<16xi32>
    %select_n3A_273 = arith.select %eq3A_272, %get3A_269, %select_n3A_262 : vector<16xi1>, vector<16xf32>
    %add3A_274 = arith.constant 16 : i32
    %add3A_275 = arith.addi %mul3A_2, %add3A_274 : i32
    %get3A_276 = arith.constant 24 : i32
    %get3A_277 = arith.index_cast %get3A_276 : i32 to index
    %get3A_278 = arith.index_cast %add3A_275 : i32 to index
    %get3A_279 = tpu.vector_load %arg6[%get3A_277, %get3A_278] {strides = array<i32>} : memref<32x1024xf32, #tpu.memory_space<vmem>>, vector<1x16xf32>,
    %get3A_280 = vector.shape_cast %get3A_279 : vector<1x16xf32> to vector<16xf32>
    %eq3A_281 = arith.constant 8 : i32
    %eq3A_282 = vector.broadcast %eq3A_281 : i32 to vector<16xi32>
    %eq3A_283 = arith.cmpi eq, %iota3A, %eq3A_282 : vector<16xi32>
    %select_n3A_284 = arith.select %eq3A_283, %get3A_280, %select_n3A_273 : vector<16xi1>, vector<16xf32>
    %add3A_285 = arith.constant 16 : i32
    %add3A_286 = arith.addi %mul3A_2, %add3A_285 : i32
    %get3A_287 = arith.constant 25 : i32
    %get3A_288 = arith.index_cast %get3A_287 : i32 to index
    %get3A_289 = arith.index_cast %add3A_286 : i32 to index
    %get3A_290 = tpu.vector_load %arg6[%get3A_288, %get3A_289] {strides = array<i32>} : memref<32x1024xf32, #tpu.memory_space<vmem>>, vector<1x16xf32>,
    %get3A_291 = vector.shape_cast %get3A_290 : vector<1x16xf32> to vector<16xf32>
    %eq3A_292 = arith.constant 9 : i32
    %eq3A_293 = vector.broadcast %eq3A_292 : i32 to vector<16xi32>
    %eq3A_294 = arith.cmpi eq, %iota3A, %eq3A_293 : vector<16xi32>
    %select_n3A_295 = arith.select %eq3A_294, %get3A_291, %select_n3A_284 : vector<16xi1>, vector<16xf32>
    %add3A_296 = arith.constant 16 : i32
    %add3A_297 = arith.addi %mul3A_2, %add3A_296 : i32
    %get3A_298 = arith.constant 26 : i32
    %get3A_299 = arith.index_cast %get3A_298 : i32 to index
    %get3A_300 = arith.index_cast %add3A_297 : i32 to index
    %get3A_301 = tpu.vector_load %arg6[%get3A_299, %get3A_300] {strides = array<i32>} : memref<32x1024xf32, #tpu.memory_space<vmem>>, vector<1x16xf32>,
    %get3A_302 = vector.shape_cast %get3A_301 : vector<1x16xf32> to vector<16xf32>
    %eq3A_303 = arith.constant 10 : i32
    %eq3A_304 = vector.broadcast %eq3A_303 : i32 to vector<16xi32>
    %eq3A_305 = arith.cmpi eq, %iota3A, %eq3A_304 : vector<16xi32>
    %select_n3A_306 = arith.select %eq3A_305, %get3A_302, %select_n3A_295 : vector<16xi1>, vector<16xf32>
    %add3A_307 = arith.constant 16 : i32
    %add3A_308 = arith.addi %mul3A_2, %add3A_307 : i32
    %get3A_309 = arith.constant 27 : i32
    %get3A_310 = arith.index_cast %get3A_309 : i32 to index
    %get3A_311 = arith.index_cast %add3A_308 : i32 to index
    %get3A_312 = tpu.vector_load %arg6[%get3A_310, %get3A_311] {strides = array<i32>} : memref<32x1024xf32, #tpu.memory_space<vmem>>, vector<1x16xf32>,
    %get3A_313 = vector.shape_cast %get3A_312 : vector<1x16xf32> to vector<16xf32>
    %eq3A_314 = arith.constant 11 : i32
    %eq3A_315 = vector.broadcast %eq3A_314 : i32 to vector<16xi32>
    %eq3A_316 = arith.cmpi eq, %iota3A, %eq3A_315 : vector<16xi32>
    %select_n3A_317 = arith.select %eq3A_316, %get3A_313, %select_n3A_306 : vector<16xi1>, vector<16xf32>
    %add3A_318 = arith.constant 16 : i32
    %add3A_319 = arith.addi %mul3A_2, %add3A_318 : i32
    %get3A_320 = arith.constant 28 : i32
    %get3A_321 = arith.index_cast %get3A_320 : i32 to index
    %get3A_322 = arith.index_cast %add3A_319 : i32 to index
    %get3A_323 = tpu.vector_load %arg6[%get3A_321, %get3A_322] {strides = array<i32>} : memref<32x1024xf32, #tpu.memory_space<vmem>>, vector<1x16xf32>,
    %get3A_324 = vector.shape_cast %get3A_323 : vector<1x16xf32> to vector<16xf32>
    %eq3A_325 = arith.constant 12 : i32
    %eq3A_326 = vector.broadcast %eq3A_325 : i32 to vector<16xi32>
    %eq3A_327 = arith.cmpi eq, %iota3A, %eq3A_326 : vector<16xi32>
    %select_n3A_328 = arith.select %eq3A_327, %get3A_324, %select_n3A_317 : vector<16xi1>, vector<16xf32>
    %add3A_329 = arith.constant 16 : i32
    %add3A_330 = arith.addi %mul3A_2, %add3A_329 : i32
    %get3A_331 = arith.constant 29 : i32
    %get3A_332 = arith.index_cast %get3A_331 : i32 to index
    %get3A_333 = arith.index_cast %add3A_330 : i32 to index
    %get3A_334 = tpu.vector_load %arg6[%get3A_332, %get3A_333] {strides = array<i32>} : memref<32x1024xf32, #tpu.memory_space<vmem>>, vector<1x16xf32>,
    %get3A_335 = vector.shape_cast %get3A_334 : vector<1x16xf32> to vector<16xf32>
    %eq3A_336 = arith.constant 13 : i32
    %eq3A_337 = vector.broadcast %eq3A_336 : i32 to vector<16xi32>
    %eq3A_338 = arith.cmpi eq, %iota3A, %eq3A_337 : vector<16xi32>
    %select_n3A_339 = arith.select %eq3A_338, %get3A_335, %select_n3A_328 : vector<16xi1>, vector<16xf32>
    %add3A_340 = arith.constant 16 : i32
    %add3A_341 = arith.addi %mul3A_2, %add3A_340 : i32
    %get3A_342 = arith.constant 30 : i32
    %get3A_343 = arith.index_cast %get3A_342 : i32 to index
    %get3A_344 = arith.index_cast %add3A_341 : i32 to index
    %get3A_345 = tpu.vector_load %arg6[%get3A_343, %get3A_344] {strides = array<i32>} : memref<32x1024xf32, #tpu.memory_space<vmem>>, vector<1x16xf32>,
    %get3A_346 = vector.shape_cast %get3A_345 : vector<1x16xf32> to vector<16xf32>
    %eq3A_347 = arith.constant 14 : i32
    %eq3A_348 = vector.broadcast %eq3A_347 : i32 to vector<16xi32>
    %eq3A_349 = arith.cmpi eq, %iota3A, %eq3A_348 : vector<16xi32>
    %select_n3A_350 = arith.select %eq3A_349, %get3A_346, %select_n3A_339 : vector<16xi1>, vector<16xf32>
    %add3A_351 = arith.constant 16 : i32
    %add3A_352 = arith.addi %mul3A_2, %add3A_351 : i32
    %get3A_353 = arith.constant 31 : i32
    %get3A_354 = arith.index_cast %get3A_353 : i32 to index
    %get3A_355 = arith.index_cast %add3A_352 : i32 to index
    %get3A_356 = tpu.vector_load %arg6[%get3A_354, %get3A_355] {strides = array<i32>} : memref<32x1024xf32, #tpu.memory_space<vmem>>, vector<1x16xf32>,
    %get3A_357 = vector.shape_cast %get3A_356 : vector<1x16xf32> to vector<16xf32>
    %eq3A_358 = arith.constant 15 : i32
    %eq3A_359 = vector.broadcast %eq3A_358 : i32 to vector<16xi32>
    %eq3A_360 = arith.cmpi eq, %iota3A, %eq3A_359 : vector<16xi32>
    %select_n3A_361 = arith.select %eq3A_360, %get3A_357, %select_n3A_350 : vector<16xi1>, vector<16xf32>
    %swap3A_362 = arith.constant 16 : index
    %swap3A_363 = tpu.vector_load %arg7[%swap3A_362] {strides = array<i32>} : memref<32xf32, #tpu.memory_space<vmem>>, vector<16xf32>,
    %swap3A_364 = vector.shape_cast %swap3A_363 : vector<16xf32> to vector<16xf32>
    %swap3A_365 = vector.shape_cast %select_n3A_361 : vector<16xf32> to vector<16xf32>
    tpu.vector_store %arg7[%swap3A_362], %swap3A_365 {strides = array<i32>} : memref<32xf32, #tpu.memory_space<vmem>>, vector<16xf32>,
    "tpu.region"() ({
      %run_scoped3A = tpu.sem_alloc : memref<!tpu.dma_semaphore, #tpu.memory_space<semaphore_mem>>
      %dma_start3A_366 = tpu.memref_slice %arg4[%mul3A_2] : memref<1024xf32, #tpu.memory_space<hbm>> -> memref<32xf32, #tpu.memory_space<hbm>>
      %dma_start3A_367 = tpu.memref_slice %arg4[%mul3A_2] : memref<1024xf32, #tpu.memory_space<hbm>> -> memref<32xf32, #tpu.memory_space<hbm>>
      tpu.enqueue_dma source(%arg7 : memref<32xf32, #tpu.memory_space<vmem>>) target(%dma_start3A_367 : memref<32xf32, #tpu.memory_space<hbm>>) target_semaphore(%run_scoped3A : memref<!tpu.dma_semaphore, #tpu.memory_space<semaphore_mem>>)
      %dma_wait3A_368 = tpu.memref_slice %arg4[%mul3A_2] : memref<1024xf32, #tpu.memory_space<hbm>> -> memref<32xf32, #tpu.memory_space<hbm>>
      %dma_wait3A_369 = tpu.memref_slice %arg4[%mul3A_2] : memref<1024xf32, #tpu.memory_space<hbm>> -> memref<32xf32, #tpu.memory_space<hbm>>
      tpu.wait_dma2 semaphore(%run_scoped3A : memref<!tpu.dma_semaphore, #tpu.memory_space<semaphore_mem>>) src(%arg7 : memref<32xf32, #tpu.memory_space<vmem>>) dst(%dma_wait3A_369 : memref<32xf32, #tpu.memory_space<hbm>>)
      tpu.yield
    }) : () -> ()
    return
  }
}

module attributes {stable_mosaic.version = 14 : i64} {
  func.func @_dense_body(%arg0: i32, %arg1: memref<1x1024xi32, #tpu.memory_space<vmem>>, %arg2: memref<2000x1024xf32, #tpu.memory_space<vmem>>, %arg3: memref<1x1024xf32, #tpu.memory_space<vmem>>, %arg4: memref<1x1024xf32, #tpu.memory_space<vmem>>, %arg5: memref<1x1024xf32, #tpu.memory_space<vmem>>) attributes {dimension_semantics = [#tpu.dimension_semantics<arbitrary>], iteration_bounds = array<i64: 50>, scalar_prefetch = 0 : i64, scratch_operands = 1 : i64, tpu.core_type = #tpu.core_type<tc>, window_params = [{pipeline_mode = #tpu.pipeline_mode<synchronous>, transform_indices = @transform_0, window_bounds = array<i64: 1, 1024>}, {transform_indices = @transform_1, window_bounds = array<i64: 2000, 1024>}, {pipeline_mode = #tpu.pipeline_mode<synchronous>, transform_indices = @transform_2, window_bounds = array<i64: 1, 1024>}, {pipeline_mode = #tpu.pipeline_mode<synchronous>, transform_indices = @transform_3, window_bounds = array<i64: 1, 1024>}]} {
    %eq3A = arith.constant 0 : i32
    %eq3A_0 = arith.cmpi eq, %arg0, %eq3A : i32
    %convert_element_type3A = arith.extui %eq3A_0 : i1 to i32
    %cond3A = arith.constant 0 : i32
    %cond3A_1 = arith.cmpi ne, %convert_element_type3A, %cond3A : i32
    scf.if %cond3A_1 {
      %broadcast_in_dim3A_51 = arith.constant 5.770780e+00 : f32
      %broadcast_in_dim3A_52 = vector.broadcast %broadcast_in_dim3A_51 : f32 to vector<1x1024xf32>
      %swap3A_53 = arith.constant 0 : index
      %swap3A_54 = arith.constant 0 : index
      %swap3A_55 = vector.load %arg3[%swap3A_53, %swap3A_54] : memref<1x1024xf32, #tpu.memory_space<vmem>>, vector<1x1024xf32>
      tpu.vector_store %arg3[%swap3A_53, %swap3A_54], %broadcast_in_dim3A_52 {strides = array<i32>} : memref<1x1024xf32, #tpu.memory_space<vmem>>, vector<1x1024xf32>,
      %broadcast_in_dim3A_56 = arith.constant 0.000000e+00 : f32
      %broadcast_in_dim3A_57 = vector.broadcast %broadcast_in_dim3A_56 : f32 to vector<1x1024xf32>
      %swap3A_58 = arith.constant 0 : index
      %swap3A_59 = arith.constant 0 : index
      %swap3A_60 = vector.load %arg4[%swap3A_58, %swap3A_59] : memref<1x1024xf32, #tpu.memory_space<vmem>>, vector<1x1024xf32>
      tpu.vector_store %arg4[%swap3A_58, %swap3A_59], %broadcast_in_dim3A_57 {strides = array<i32>} : memref<1x1024xf32, #tpu.memory_space<vmem>>, vector<1x1024xf32>,
      %broadcast_in_dim3A_61 = arith.constant -1.000000e+30 : f32
      %broadcast_in_dim3A_62 = vector.broadcast %broadcast_in_dim3A_61 : f32 to vector<1x1024xf32>
      %swap3A_63 = arith.constant 0 : index
      %swap3A_64 = arith.constant 0 : index
      %swap3A_65 = vector.load %arg5[%swap3A_63, %swap3A_64] : memref<1x1024xf32, #tpu.memory_space<vmem>>, vector<1x1024xf32>
      tpu.vector_store %arg5[%swap3A_63, %swap3A_64], %broadcast_in_dim3A_62 {strides = array<i32>} : memref<1x1024xf32, #tpu.memory_space<vmem>>, vector<1x1024xf32>,
    } else {
    }
    %get3A = arith.constant 0 : index
    %get3A_2 = arith.constant 0 : index
    %get3A_3 = vector.load %arg2[%get3A, %get3A_2] : memref<2000x1024xf32, #tpu.memory_space<vmem>>, vector<2000x1024xf32>
    %iota3A = tpu.iota {dimensions = array<i32: 0>} : vector<2000x1024xi32>
    %get3A_4 = arith.constant 0 : index
    %get3A_5 = arith.constant 0 : index
    %get3A_6 = vector.load %arg1[%get3A_4, %get3A_5] : memref<1x1024xi32, #tpu.memory_space<vmem>>, vector<1x1024xi32>
    %mul3A = arith.constant 2000 : i32
    %mul3A_7 = arith.muli %arg0, %mul3A : i32
    %sub3A = vector.broadcast %mul3A_7 : i32 to vector<1x1024xi32>
    %sub3A_8 = arith.subi %get3A_6, %sub3A : vector<1x1024xi32>
    %eq3A_9 = vector.broadcast %sub3A_8 : vector<1x1024xi32> to vector<2000x1024xi32>
    %eq3A_10 = arith.cmpi eq, %iota3A, %eq3A_9 : vector<2000x1024xi32>
    %jit3A = arith.constant -1.000000e+30 : f32
    %broadcast_in_dim3A = vector.broadcast %jit3A : f32 to vector<2000x1024xf32>
    %select_n3A = arith.select %eq3A_10, %broadcast_in_dim3A, %get3A_3 : vector<2000x1024xi1>, vector<2000x1024xf32>
    %get3A_11 = arith.constant 0 : index
    %get3A_12 = arith.constant 0 : index
    %get3A_13 = vector.load %arg5[%get3A_11, %get3A_12] : memref<1x1024xf32, #tpu.memory_space<vmem>>, vector<1x1024xf32>
    %reduce_max3A = arith.constant dense<0xFF800000> : vector<1024xf32>
    %reduce_max3A_14 = vector.multi_reduction <maximumf>, %select_n3A, %reduce_max3A [0] : vector<2000x1024xf32> to vector<1024xf32>
    %broadcast_in_dim3A_15 = vector.shape_cast %reduce_max3A_14 : vector<1024xf32> to vector<1x1024xf32>
    %max3A = arith.maximumf %get3A_13, %broadcast_in_dim3A_15 : vector<1x1024xf32>
    %max3A_16 = arith.constant 2.500000e-01 : f32
    %max3A_17 = vector.broadcast %max3A_16 : f32 to vector<1x1024xf32>
    %max3A_18 = arith.maximumf %max3A, %max3A_17 : vector<1x1024xf32>
    %mul3A_19 = arith.constant 9.60897922 : f32
    %mul3A_20 = vector.broadcast %mul3A_19 : f32 to vector<1x1024xf32>
    %mul3A_21 = arith.mulf %max3A_18, %mul3A_20 : vector<1x1024xf32>
    %mul3A_22 = arith.mulf %mul3A_21, %mul3A_21 : vector<1x1024xf32>
    %max3A_23 = arith.constant -2.500000e-01 : f32
    %max3A_24 = vector.broadcast %max3A_23 : f32 to vector<2000x1024xf32>
    %max3A_25 = arith.maximumf %select_n3A, %max3A_24 : vector<2000x1024xf32>
    %mul3A_26 = arith.constant 9.60897922 : f32
    %mul3A_27 = vector.broadcast %mul3A_26 : f32 to vector<2000x1024xf32>
    %mul3A_28 = arith.mulf %max3A_25, %mul3A_27 : vector<2000x1024xf32>
    %get3A_29 = arith.constant 0 : index
    %get3A_30 = arith.constant 0 : index
    %get3A_31 = vector.load %arg4[%get3A_29, %get3A_30] : memref<1x1024xf32, #tpu.memory_space<vmem>>, vector<1x1024xf32>
    %get3A_32 = arith.constant 0 : index
    %get3A_33 = arith.constant 0 : index
    %get3A_34 = vector.load %arg3[%get3A_32, %get3A_33] : memref<1x1024xf32, #tpu.memory_space<vmem>>, vector<1x1024xf32>
    %sub3A_35 = arith.subf %get3A_34, %mul3A_22 : vector<1x1024xf32>
    %exp23A = math.exp2 %sub3A_35 : vector<1x1024xf32>
    %mul3A_36 = arith.mulf %get3A_31, %exp23A : vector<1x1024xf32>
    %mul3A_37 = arith.mulf %mul3A_28, %mul3A_28 : vector<2000x1024xf32>
    %sub3A_38 = vector.broadcast %mul3A_22 : vector<1x1024xf32> to vector<2000x1024xf32>
    %sub3A_39 = arith.subf %mul3A_37, %sub3A_38 : vector<2000x1024xf32>
    %exp23A_40 = math.exp2 %sub3A_39 : vector<2000x1024xf32>
    %reduce_sum3A = arith.constant dense<0.000000e+00> : vector<1024xf32>
    %reduce_sum3A_41 = vector.multi_reduction <add>, %exp23A_40, %reduce_sum3A [0] : vector<2000x1024xf32> to vector<1024xf32>
    %broadcast_in_dim3A_42 = vector.shape_cast %reduce_sum3A_41 : vector<1024xf32> to vector<1x1024xf32>
    %add3A = arith.addf %mul3A_36, %broadcast_in_dim3A_42 : vector<1x1024xf32>
    %swap3A = arith.constant 0 : index
    %swap3A_43 = arith.constant 0 : index
    %swap3A_44 = vector.load %arg4[%swap3A, %swap3A_43] : memref<1x1024xf32, #tpu.memory_space<vmem>>, vector<1x1024xf32>
    tpu.vector_store %arg4[%swap3A, %swap3A_43], %add3A {strides = array<i32>} : memref<1x1024xf32, #tpu.memory_space<vmem>>, vector<1x1024xf32>,
    %swap3A_45 = arith.constant 0 : index
    %swap3A_46 = arith.constant 0 : index
    %swap3A_47 = vector.load %arg3[%swap3A_45, %swap3A_46] : memref<1x1024xf32, #tpu.memory_space<vmem>>, vector<1x1024xf32>
    tpu.vector_store %arg3[%swap3A_45, %swap3A_46], %mul3A_22 {strides = array<i32>} : memref<1x1024xf32, #tpu.memory_space<vmem>>, vector<1x1024xf32>,
    %swap3A_48 = arith.constant 0 : index
    %swap3A_49 = arith.constant 0 : index
    %swap3A_50 = vector.load %arg5[%swap3A_48, %swap3A_49] : memref<1x1024xf32, #tpu.memory_space<vmem>>, vector<1x1024xf32>
    tpu.vector_store %arg5[%swap3A_48, %swap3A_49], %max3A {strides = array<i32>} : memref<1x1024xf32, #tpu.memory_space<vmem>>, vector<1x1024xf32>,
    return
  }
  func.func @transform_0(%arg0: i32) -> (i32, i32) {
    %c0_i32 = arith.constant 0 : i32
    %c0_i32_0 = arith.constant 0 : i32
    %c0_i32_1 = arith.constant 0 : i32
    return %c0_i32, %c0_i32_0 : i32, i32
  }
  func.func @transform_1(%arg0: i32) -> (i32, i32) {
    %c0_i32 = arith.constant 0 : i32
    %c0_i32_0 = arith.constant 0 : i32
    return %arg0, %c0_i32 : i32, i32
  }
  func.func @transform_2(%arg0: i32) -> (i32, i32) {
    %c0_i32 = arith.constant 0 : i32
    %c0_i32_0 = arith.constant 0 : i32
    %c0_i32_1 = arith.constant 0 : i32
    return %c0_i32, %c0_i32_0 : i32, i32
  }
  func.func @transform_3(%arg0: i32) -> (i32, i32) {
    %c0_i32 = arith.constant 0 : i32
    %c0_i32_0 = arith.constant 0 : i32
    %c0_i32_1 = arith.constant 0 : i32
    return %c0_i32, %c0_i32_0 : i32, i32
  }
}

module attributes {stable_mosaic.version = 14 : i64} {
  func.func @_combine_body(%arg0: memref<1x1024xf32, #tpu.memory_space<vmem>>, %arg1: memref<1x1024xf32, #tpu.memory_space<vmem>>, %arg2: memref<1x1024xf32, #tpu.memory_space<vmem>>, %arg3: memref<1x1xf32, #tpu.memory_space<vmem>>) attributes {dimension_semantics = [], scalar_prefetch = 0 : i64, scratch_operands = 0 : i64, tpu.core_type = #tpu.core_type<tc>} {
    %get3A = arith.constant 0 : index
    %get3A_0 = arith.constant 0 : index
    %get3A_1 = vector.load %arg2[%get3A, %get3A_0] : memref<1x1024xf32, #tpu.memory_space<vmem>>, vector<1x1024xf32>
    %sub3A = arith.constant 1.250000e+00 : f32
    %sub3A_2 = vector.broadcast %sub3A : f32 to vector<1x1024xf32>
    %sub3A_3 = arith.subf %sub3A_2, %get3A_1 : vector<1x1024xf32>
    %max3A = arith.constant 0.000000e+00 : f32
    %max3A_4 = vector.broadcast %max3A : f32 to vector<1x1024xf32>
    %max3A_5 = arith.maximumf %sub3A_3, %max3A_4 : vector<1x1024xf32>
    %sub3A_6 = arith.constant 7.500000e-01 : f32
    %sub3A_7 = vector.broadcast %sub3A_6 : f32 to vector<1x1024xf32>
    %sub3A_8 = arith.subf %get3A_1, %sub3A_7 : vector<1x1024xf32>
    %mul3A = arith.constant 6.400000e+01 : f32
    %mul3A_9 = vector.broadcast %mul3A : f32 to vector<1x1024xf32>
    %mul3A_10 = arith.mulf %sub3A_8, %mul3A_9 : vector<1x1024xf32>
    %mul3A_11 = arith.mulf %max3A_5, %mul3A_10 : vector<1x1024xf32>
    %mul3A_12 = arith.constant 1.44269502 : f32
    %mul3A_13 = vector.broadcast %mul3A_12 : f32 to vector<1x1024xf32>
    %mul3A_14 = arith.mulf %mul3A_11, %mul3A_13 : vector<1x1024xf32>
    %add3A = arith.constant 5.770780e+00 : f32
    %add3A_15 = vector.broadcast %add3A : f32 to vector<1x1024xf32>
    %add3A_16 = arith.addf %mul3A_14, %add3A_15 : vector<1x1024xf32>
    %get3A_17 = arith.constant 0 : index
    %get3A_18 = arith.constant 0 : index
    %get3A_19 = vector.load %arg0[%get3A_17, %get3A_18] : memref<1x1024xf32, #tpu.memory_space<vmem>>, vector<1x1024xf32>
    %get3A_20 = arith.constant 0 : index
    %get3A_21 = arith.constant 0 : index
    %get3A_22 = vector.load %arg1[%get3A_20, %get3A_21] : memref<1x1024xf32, #tpu.memory_space<vmem>>, vector<1x1024xf32>
    %max3A_23 = arith.maximumf %get3A_19, %add3A_16 : vector<1x1024xf32>
    %sub3A_24 = arith.subf %get3A_19, %max3A_23 : vector<1x1024xf32>
    %exp23A = math.exp2 %sub3A_24 : vector<1x1024xf32>
    %mul3A_25 = arith.mulf %get3A_22, %exp23A : vector<1x1024xf32>
    %sub3A_26 = arith.subf %add3A_16, %max3A_23 : vector<1x1024xf32>
    %exp23A_27 = math.exp2 %sub3A_26 : vector<1x1024xf32>
    %add3A_28 = arith.addf %mul3A_25, %exp23A_27 : vector<1x1024xf32>
    %sub3A_29 = arith.constant 5.770780e+00 : f32
    %sub3A_30 = vector.broadcast %sub3A_29 : f32 to vector<1x1024xf32>
    %sub3A_31 = arith.subf %max3A_23, %sub3A_30 : vector<1x1024xf32>
    %log3A = math.log %add3A_28 : vector<1x1024xf32>
    %log3A_32 = arith.constant 2.000000e+00 : f32
    %log3A_33 = math.log %log3A_32 : f32
    %div3A = vector.broadcast %log3A_33 : f32 to vector<1x1024xf32>
    %div3A_34 = arith.divf %log3A, %div3A : vector<1x1024xf32>
    %add3A_35 = arith.addf %sub3A_31, %div3A_34 : vector<1x1024xf32>
    %mul3A_36 = arith.constant 0.693147182 : f32
    %mul3A_37 = vector.broadcast %mul3A_36 : f32 to vector<1x1024xf32>
    %mul3A_38 = arith.mulf %add3A_35, %mul3A_37 : vector<1x1024xf32>
    %sub3A_39 = arith.subf %mul3A_38, %mul3A_11 : vector<1x1024xf32>
    %reduce_sum3A = vector.shape_cast %sub3A_39 : vector<1x1024xf32> to vector<1x1x1024xf32>
    %reduce_sum3A_40 = arith.constant dense<0.000000e+00> : vector<1xf32>
    %reduce_sum3A_41 = vector.multi_reduction <add>, %reduce_sum3A, %reduce_sum3A_40 [1, 2] : vector<1x1x1024xf32> to vector<1xf32>
    %reduce_sum3A_42 = vector.shape_cast %reduce_sum3A_41 : vector<1xf32> to vector<1x1x1xf32>
    %reduce_sum3A_43 = vector.extract %reduce_sum3A_42[0, 0, 0] : f32 from vector<1x1x1xf32>
    %div3A_44 = arith.constant 1.024000e+03 : f32
    %div3A_45 = arith.divf %reduce_sum3A_43, %div3A_44 : f32
    %reshape3A = vector.broadcast %div3A_45 : f32 to vector<1x1xf32>
    %swap3A = arith.constant 0 : index
    %swap3A_46 = arith.constant 0 : index
    %swap3A_47 = vector.load %arg3[%swap3A, %swap3A_46] : memref<1x1xf32, #tpu.memory_space<vmem>>, vector<1x1xf32>
    tpu.vector_store %arg3[%swap3A, %swap3A_46], %reshape3A {strides = array<i32>} : memref<1x1xf32, #tpu.memory_space<vmem>>, vector<1x1xf32>,
    return
  }
}

</mosaic_0001>

<sc_bundles>
// kernel: kernel.5.cloned.1.call-start
scs
__scs_entry_jumppad:
0x0: {  	(pc) =	sbr.rel $0x88, $3  }
0x1: {  	(tag) =	ssettag $0x0;
	lr =	simm.s32 $0x1  }
0x2: {  	[smem:$0x3F9F] =	sst lr;
	_ =	strace $0xD0000000  }
0x3: {  	_ = 	snop  }
0x4: {  	_ = 	snop  }
0x5: {  	_ = 	snop  }
0x6: {  	_ = 	snop  }
0x7: {  	_ = 	snop  }
__scs_overlays_trampoline_lowered:
0x8: {  	[smem:$0x3FAE] =	sst s0  }
0x9: {  	[smem:$0x3FAF] =	sst s1  }
0xa: {  	[smem:$0x3FB0] =	sst s2  }
0xb: {  	[smem:$0x3FB1] =	sst s3  }
0xc: {  	[smem:$0x3FB2] =	sst s4  }
0xd: {  	[smem:$0x3FB3] =	sst s5  }
0xe: {  	[smem:$0x3FB4] =	sst s6  }
0xf: {  	[smem:$0x3FB5] =	sst s7  }
0x10: {  	[smem:$0x3FB6] =	sst s8  }
0x11: {  	[smem:$0x3FB7] =	sst s9;
	s0 =	simm.s32 @!p0 $0x0  }
0x12: {  	s1 =	sld [smem:$0x3F9D];
	s0 =	simm.s32 @p0 $0x1  }
0x13: {  	[smem:$0x3FB8] =	sst s0;
	s0 =	simm.s32 @!p1 $0x0  }
0x14: {  	s2 =	sld [smem:$0x3F9C];
	s0 =	simm.s32 @p1 $0x1  }
0x15: {  	[smem:$0x3FB9] =	sst s0;
	s0 =	simm.s32 @!p2 $0x0  }
0x16: {  	s3 =	sld [smem:$0x3FDB];
	s0 =	simm.s32 @p2 $0x1  }
0x17: {  	s4 =	simm.s32 $0x1BF5;
	[smem:$0x3FBB] =	sst s0  }
0x18: {  	s0 =	sld [smem:$0x3F9E];
	_ =	swait.ge [sflag:s4], $0x0  }
0x19: {  	s7 =	sld [smem:$0x3F9F]  }
0x1a: {  	s8 =	sadd.s32 $0xFFFFE003, lr  }
0x1b: {  	s9 =	sadd.s32 $0xFFFFFEF7, lr;
	s5 =	simm.s32 $0xFFFFFFFF;
	p2 =	slt.u32 s8, $0xFFFFF086  }
0x1c: {  	p1 =	slt.u32 s9, $0xF7A;
	s5 =	simm.s32 @!p2 $0x0  }
0x1d: {  	s5 =	simm.s32 @p1 $0x1;
	p0 =	seq.s32 s7, s2  }
0x1e: {  	s7 =	smul.u32 @!p0 $0xF7A, s2;
	p2 =	seq.s32 @!p0 s5, $0x0  }
0x1f: {  	s9 =	smul.u32 $0xF7A, s1;
	s8 =	simm.s32 @!p0 $0x1BF5;
	p2 =	por !p2, p0  }
0x20: {  	[sflag:s8] =	ssyncset.s32 @!p0 $0xFFFFF086;
	s6 =	sadd.s32 @!p0 s3, s7;
	s7 =	simm.s32 @!p0 $0x108  }
0x21: {  	s3 =	sadd.s32 s3, s9;
	s6 =	sadd.s32 @!p0 $0x88, s6;
	s7 =	simm.s32 @p2 $0x1082  }
0x22: {  	[simem:s7], [sflag:s8] =	dma.local @!p0 [hbm:s6], $0xF7A  }
0x23: {  	s9 =	sor.u32 $0xD0000000, s2;
	s6 =	simm.s32 $0x108;
	_ =	swait.ge @!p0 [sflag:s8], $0x0  }
0x24: {  	s3 =	sadd.s32 $0x88, s3;
	s6 =	simm.s32 @!p1 $0x1082;
	[sflag:s4] =	ssyncset.s32 $0xFFFFF086  }
0x25: {  	[simem:s6], [sflag:s4] =	dma.local [hbm:s3], $0xF7A  }
0x26: {  	[smem:$0x3F9F] =	sst s1;
	(tag) =	ssettag s2;
	_ =	strace s9  }
0x27: {  	s1 =	sld [smem:$0x3FAF]  }
0x28: {  	s2 =	sld [smem:$0x3FB0]  }
0x29: {  	s4 =	sld [smem:$0x3FB2]  }
0x2a: {  	p0 =	seq.s32 s5, $0x0;
	s5 =	sld [smem:$0x3FB3]  }
0x2b: {  	s6 =	sld [smem:$0x3FB4]  }
0x2c: {  	s7 =	sld [smem:$0x3FB5]  }
0x2d: {  	s3 =	simm.s32 $0x108;
	s8 =	sld [smem:$0x3FB6]  }
0x2e: {  	s3 =	simm.s32 @!p0 $0x1082;
	s9 =	sld [smem:$0x3FB7]  }
0x2f: {  	lr =	sadd.s32 s0, s3;
	s0 =	sld [smem:$0x3FAE]  }
0x30: {  	s3 =	sld [smem:$0x3FB1]  }
0x31: {  	[smem:$0x3FBA] =	sst s10  }
0x32: {  	s10 =	sld [smem:$0x3FB8];
	_ =	sdelay $0x3  }
0x33: {  	p0 =	seq.s32 s10, $0x1;
	s10 =	sld [smem:$0x3FBA];
	_ =	sdelay $0x3  }
0x34: {  	[smem:$0x3FBA] =	sst s10  }
0x35: {  	s10 =	sld [smem:$0x3FB9];
	_ =	sdelay $0x3  }
0x36: {  	p1 =	seq.s32 s10, $0x1;
	s10 =	sld [smem:$0x3FBA];
	_ =	sdelay $0x3  }
0x37: {  	[smem:$0x3FBA] =	sst s10  }
0x38: {  	s10 =	sld [smem:$0x3FBB]  }
0x39: {  	_ = 	snop;
	(pc) =	sbr.ind lr, $3  }
0x3a: {  	_ = 	snop  }
0x3b: {  	_ = 	snop  }
0x3c: {  	p2 =	seq.s32 s10, $0x1;
	s10 =	sld [smem:$0x3FBA]  }
0x3d: {  	_ =	shalt  }
0x3e: {  	_ =	shalt  }
0x3f: {  	_ =	shalt  }
0x40: {  	_ =	shalt  }
0x41: {  	_ =	shalt  }
0x42: {  	_ =	shalt  }
0x43: {  	_ =	shalt  }
0x44: {  	_ =	shalt  }
0x45: {  	_ =	shalt  }
0x46: {  	_ =	shalt  }
0x47: {  	_ =	shalt  }
0x48: {  	_ =	shalt  }
0x49: {  	_ =	shalt  }
0x4a: {  	_ =	shalt  }
0x4b: {  	_ =	shalt  }
0x4c: {  	_ =	shalt  }
0x4d: {  	_ =	shalt  }
0x4e: {  	_ =	shalt  }
0x4f: {  	_ =	shalt  }
0x50: {  	_ =	shalt  }
0x51: {  	_ =	shalt  }
0x52: {  	_ =	shalt  }
0x53: {  	_ =	shalt  }
0x54: {  	_ =	shalt  }
0x55: {  	_ =	shalt  }
0x56: {  	_ =	shalt  }
0x57: {  	_ =	shalt  }
0x58: {  	_ =	shalt  }
0x59: {  	_ =	shalt  }
0x5a: {  	_ =	shalt  }
0x5b: {  	_ =	shalt  }
0x5c: {  	_ =	shalt  }
0x5d: {  	_ =	shalt  }
0x5e: {  	_ =	shalt  }
0x5f: {  	_ =	shalt  }
0x60: {  	_ =	shalt  }
0x61: {  	_ =	shalt  }
0x62: {  	_ =	shalt  }
0x63: {  	_ =	shalt  }
0x64: {  	_ =	shalt  }
0x65: {  	_ =	shalt  }
0x66: {  	_ =	shalt  }
0x67: {  	_ =	shalt  }
0x68: {  	_ =	shalt  }
0x69: {  	_ =	shalt  }
0x6a: {  	_ =	shalt  }
0x6b: {  	_ =	shalt  }
0x6c: {  	_ =	shalt  }
0x6d: {  	_ =	shalt  }
0x6e: {  	_ =	shalt  }
0x6f: {  	_ =	shalt  }
0x70: {  	_ =	shalt  }
0x71: {  	_ =	shalt  }
0x72: {  	_ =	shalt  }
0x73: {  	_ =	shalt  }
0x74: {  	_ =	shalt  }
0x75: {  	_ =	shalt  }
0x76: {  	_ =	shalt  }
0x77: {  	_ =	shalt  }
0x78: {  	_ =	shalt  }
0x79: {  	_ =	shalt  }
0x7a: {  	_ =	shalt  }
0x7b: {  	_ =	shalt  }
0x7c: {  	_ =	shalt  }
0x7d: {  	_ =	shalt  }
0x7e: {  	_ =	shalt  }
0x7f: {  	_ =	shalt  }
0x80: {  	_ =	shalt  }
0x81: {  	_ =	shalt  }
0x82: {  	_ =	shalt  }
0x83: {  	_ =	shalt  }
0x84: {  	_ =	shalt  }
0x85: {  	_ =	shalt  }
0x86: {  	_ =	shalt  }
0x87: {  	_ =	shalt  }
.Lfunc_end0:
.L_simem_size_0:
called_computation_lowered:
.L_overlay_start_0:
0x88: {  	s2 =	sld [smem:$0x3FD9]  }
0x89: {  	s3 =	sld [smem:$0x3FFE];
	_ =	sdelay $0x1  }
0x8a: {  	s1 =	srdreg.scid  }
0x8b: {  	s0 =	sand.u32 $0x1, s1  }
0x8c: {  	s17 =	sshll.u32 s0, $0xA;
	s2 =	sadd.s32 s3, s2  }
0x8d: {  	s2 =	sadd.s32 s2, s17  }
0x8e: {  	[smem:$0x3FC6] =	sst s2  }
0x8f: {  	_ = 	snop  }
0x90: {  	s2 =	sld [smem:$0x3FC9]  }
0x91: {  	s18 =	sld [smem:$0x3FC8];
	(tm) =	ssettm $0x1  }
0x92: {  	s4 =	sld [smem:$0x3FFB];
	_ =	sdelay $0x3  }
0x93: {  	_ =	strace s4  }
0x94: {  	s4 =	sld [smem:$0x3FFC];
	_ =	sdelay $0x3  }
0x95: {  	_ =	strace s4  }
0x96: {  	s4 =	sld [smem:$0x3FFD];
	_ =	sdelay $0x3  }
0x97: {  	_ =	strace s4  }
0x98: {  	_ =	strace $0x8FFFFFFF  }
0x99: {  	s19 =	sld [smem:$0x3FDB];
	_ =	sdelay $0x1  }
0x9a: {  	s5 =	simm.s32 $_scs_section_size  }
0x9b: {  	s6 =	simm.s32 $_size__tile_overlayer_lowered;
	s7 =	simm.s32 $_tile_overlayer_lowered  }
0x9c: {  	s22 =	simm.s32 $0x1BFF;
	s21 =	sshll.u32 s7, $0x1;
	s4 =	sadd.s32 s5, s19  }
0x9d: {  	s8 =	simm.s32 $0x0;
	s20 =	sshll.u32 s6, $0x1;
	s6 =	sadd.s32 s21, s4  }
0x9e: {  	[timem:s8], [sflag:s22] =	dma.local [hbm:s6], s20  }
0x9f: {  	_ =	swait.ge [sflag:s22], s20  }
0xa0: {  	s5 =	ssub.s32 $0x0, s20;
	[sflag:s22] =	ssyncset.done $0x0  }
0xa1: {  	[sflag:s22] =	ssyncadd.s32 s5;
	_ =	sdelay $0x1  }
0xa2: {  	s23 =	simm.s32 $0x1B8B  }
0xa3: {  	_ =	swait.ge [sflag:s23], $0x1  }
0xa4: {  	[sflag:s23] =	ssyncset.done $0x0  }
0xa5: {  	s25 =	simm.s32 $0x1B8E;
	s24 =	sld [smem:$0x3FFE];
	[sflag:s23] =	ssyncadd.s32 $0xFFFFFFFF  }
0xa6: {  	s26 =	simm.s32 $execute0_lowered;
	[smem:$0x3FD2] =	sst s25  }
0xa7: {  	s6 =	sshll.u32 s26, $0x1;
	_ =	strace $0x80000046;
	[dreg:$0x1] =	wrdreg $0xFFFFFFFF  }
0xa8: {  	s28 =	simm.s32 $_size_execute0_lowered;
	s4 =	sadd.s32 s4, s6;
	[dreg:$0x0] =	wrdreg $0x0  }
0xa9: {  	s6 =	sshll.u32 s28, $0x1;
	[dreg:$0x2] =	wrdreg s4  }
0xaa: {  	[dreg:$0x3] =	wrdreg s6  }
0xab: {  	[dreg:$0x4] =	wrdreg $0xC0  }
0xac: {  	_ =	task [dreg:s8], $0x5FFFF  }
0xad: {  	[dreg:$0x1] =	wrdreg $0xFFFFFFFF  }
0xae: {  	[dreg:$0x0] =	wrdreg $0x60  }
0xaf: {  	[dreg:$0x2] =	wrdreg s2  }
0xb0: {  	[dreg:$0x3] =	wrdreg s18  }
0xb1: {  	[dreg:$0x4] =	wrdreg s24  }
0xb2: {  	[dreg:$0x5] =	wrdreg $0x9  }
0xb3: {  	_ =	task.clear_ibuf [dreg:s8], $0x6FFFF;
	_ =	strace $0x90000046  }
0xb4: {  	s29 =	simm.s32 $0x9;
	_ =	strace $0x80000048  }
0xb5: {  	_ =	swait.ge [sflag:s29], $0x1  }
0xb6: {  	[sflag:s29] =	ssyncadd.s32 $0xFFFFFFFF  }
0xb7: {  	_ =	strace $0x90000048  }
0xb8: {  	_ =	sfence  }
0xb9: {  	s30 =	sld [smem:$0x0];
	_ =	sdelay $0x2  }
0xba: {  	s31 =	sshll.u32 s1, $0xD;
	s1 =	sshrl.u32 s1, $0x2  }
0xbb: {  	s3 =	sand.u32 $0x4000, s31;
	s1 =	sadd.s32 s1, s30  }
0xbc: {  	s0 =	sor.u32 s3, s0;
	s1 =	sshll.u32 s1, $0x11  }
0xbd: {  	s0 =	sor.u32 s1, s0  }
0xbe: {  	s0 =	sadd.s32 $0x8F2B, s0  }
0xbf: {  	[sflag:s0] =	ssyncadd.remote.s32 $0x1  }
0xc0: {  	_ =	sfence.sel $0xFFFF  }
0xc1: {  	[dreg:$0x0] =	wrdreg $0xFFFFFFFF;
	(pc) =	sbr.abs _section_cstart, $3  }
0xc2: {  	[dreg:$0x1] =	wrdreg $0xFFFFFFFF  }
0xc3: {  	_ =	task.clear_ibuf [dreg:s8], $0x2FFFF;
	_ =	strace $0x9FFFFFFF  }
0xc4: {  	(tm) =	ssettm $0x7FFFFFFF  }
0xc5: {  	_ =	shalt  }
tec
execute0_lowered:
.L_overlay_start_1:
0x0: {  	(tag) =	ssettag $0x1  }
0x1: {  	s1 =	rddreg [dreg:$0x0]  }
0x2: {  	s0 =	rddreg [dreg:$0x1];
	s3 =	srdreg.scid  }
0x3: {  	s5 =	rddreg [dreg:$0x2];
	s2 =	stileid.u32;
	s6 =	sand.u32 $0x1, s3  }
0x4: {  	s3 =	simm.s32 $0x0;
	s4 =	sshll.u32 s2, $0x6;
	s7 =	sshll.u32 s6, $0x5  }
0x5: {  	[smem:$0x7FF] =	sst s3;
	s4 =	sor.u32 s7, s4  }
0x6: {  	s7 =	sshrl.u32 s4, $0x3;
	s8 =	sand.u32 $0x60, s4;
	s9 =	sshll.u32 s4, $0x3  }
0x7: {  	_ =	strace $0x80000047;
	s0 =	sadd.s32 s0, s7;
	s8 =	sor.u32 s8, s9  }
0x8: {  	s24 =	sor.u32 s4, s9;
	[dreg:$0x4] =	wrdreg s0;
	s25 =	sor.u32 $0x300, s8  }
0x9: {  	s4 =	sand.u32 $0x1C60, s24;
	s26 =	sor.u32 $0x380, s8;
	[dreg:$0x5] =	wrdreg s25  }
0xa: {  	[dreg:$0x6] =	wrdreg s26;
	s2 =	sor.u32 $0x2080, s4  }
0xb: {  	s8 =	sor.u32 $0x2100, s4;
	[dreg:$0x7] =	wrdreg s2  }
0xc: {  	s9 =	sor.u32 $0x2180, s4;
	[dreg:$0x8] =	wrdreg s8  }
0xd: {  	s10 =	sor.u32 $0x2200, s4;
	[dreg:$0x9] =	wrdreg s9  }
0xe: {  	s11 =	sor.u32 $0x2280, s4;
	[dreg:$0xa] =	wrdreg s10  }
0xf: {  	s12 =	sor.u32 $0x2300, s4;
	[dreg:$0xb] =	wrdreg s11  }
0x10: {  	s13 =	sor.u32 $0x2380, s4;
	[dreg:$0xc] =	wrdreg s12  }
0x11: {  	s28 =	simm.s32 $0x6880;
	s14 =	sor.u32 $0x4090, s4;
	[dreg:$0xd] =	wrdreg s13  }
0x12: {  	s29 =	simm.s32 $0x7080;
	s15 =	sor.u32 $0x4110, s4;
	[dreg:$0xe] =	wrdreg s14  }
0x13: {  	s30 =	simm.s32 $0x7880;
	s16 =	sor.u32 $0x4190, s4;
	[dreg:$0xf] =	wrdreg s15  }
0x14: {  	s31 =	simm.s32 $0x1;
	s17 =	sor.u32 $0x4210, s4;
	[dreg:$0x10] =	wrdreg s16  }
0x15: {  	s19 =	ssub.s32 $0x2, s6;
	s18 =	sor.u32 $0x4290, s4;
	[dreg:$0x11] =	wrdreg s17  }
0x16: {  	s6 =	sshrl.u32 s19, $0x1;
	s20 =	sor.u32 $0x4310, s4;
	[dreg:$0x12] =	wrdreg s18  }
0x17: {  	s0 =	simm.s32 $0x8080;
	s21 =	sor.u32 $0x4390, s4;
	[dreg:$0x13] =	wrdreg s20  }
0x18: {  	s22 =	sor.u32 $0x6090, s4;
	s23 =	sor.u32 $0x6110, s4;
	[dreg:$0x14] =	wrdreg s21  }
0x19: {  	s24 =	sor.u32 $0x6190, s4;
	s25 =	sor.u32 $0x6210, s4;
	[dreg:$0x15] =	wrdreg s22  }
0x1a: {  	s26 =	sor.u32 $0x6290, s4;
	s11 =	sadd.s32 s7, s5;
	[dreg:$0x16] =	wrdreg s23  }
0x1b: {  	s12 =	ssub.s32 s19, s6;
	s5 =	sadd.s32 $0x100, s1;
	[dreg:$0x17] =	wrdreg s24  }
0x1c: {  	v2 =	vlaneseq.u32;
	vm0 =	vmmov $0xffff;
	vm1 =	vmmov $0x1;
	s6 =	sadd.s32 $0x200, s1;
	s7 =	sadd.s32 $0x300, s1;
	[dreg:$0x18] =	wrdreg s25  }
0x1d: {  	vm2 =	vmmov $0x3;
	vm3 =	vmmov $0x7;
	vm4 =	vmmov $0xf;
	s8 =	sor.u32 $0x80, s4;
	[dreg:$0x19] =	wrdreg s26;
	s9 =	sor.u32 $0x6310, s4  }
0x1e: {  	vm5 =	vmmov $0x1f;
	vm6 =	vmmov $0x3f;
	vm7 =	vmmov $0x7f;
	s10 =	sor.u32 $0x6390, s4;
	s13 =	simm.s32 $0x2;
	s16 =	simm.s32 $0x1080  }
0x1f: {  	vm8 =	vmmov $0xff;
	vm9 =	vmmov $0x1ff;
	vm10 =	vmmov $0x3ff;
	s17 =	simm.s32 $0x1880;
	s18 =	simm.s32 $0x2080;
	s19 =	simm.s32 $0x2880  }
0x20: {  	vm11 =	vmmov $0x7ff;
	vm12 =	vmmov $0xfff;
	vm13 =	vmmov $0x1fff;
	s20 =	simm.s32 $0x3080;
	s21 =	simm.s32 $0x3880;
	s22 =	simm.s32 $0x4080  }
0x21: {  	vm14 =	vmmov $0x3fff;
	vm15 =	vmmov $0x7fff;
	v1 =	vshrl.u32 v2, $0x3;
	s23 =	simm.s32 $0x4880;
	s24 =	simm.s32 $0x5080;
	s25 =	simm.s32 $0x5880  }
0x22: {  	v0 =	vand.u32 $0x7, v2;
	v2 =	vor.u32 $0x8, v2;
	v1 =	vmul.u32 $0x8, v1;
	s26 =	simm.s32 $0x6080;
	s11 =	sadd.s32 $0xA00, s11;
	s12 =	smax.u32 s12, $0x1  }
.LBB2_1:
0x23: {  	s2 =	rddreg [dreg:$0x4]  }
0x24: {  	[tilespmem:s3], [sflag:$0x2] =	stream.linear.gather [hbm4b:s2+s3], $0x20, $0x38;
	[tilespmem:$0x8100] =	vst v63  }
0x25: {  	_ =	swait.ge [sflag:s13], $0x20  }
0x26: {  	[sflag:s13] =	ssyncset.done $0x0  }
0x27: {  	[sflag:s13] =	ssyncadd.s32 $0xFFFFFFE0  }
0x28: {  	v3 =	vld [tilespmem:$0x0];
	_ =	sdelay $0x4  }
0x29: {  	v4 =	vshll.u32 v3, $0x3  }
0x2a: {  	v3 =	vand.u32 $0x7, v3;
	v4 =	vand.u32 $0xFFFFFFC0, v4  }
0x2b: {  	v3 =	vor.u32 v3, v4  }
0x2c: {  	v4 =	vperm.xlane v3, v0;
	_ =	sdelay $0x1  }
0x2d: {  	v4 =	vadd.s32 v1, v4;
	_ =	sdelay $0x3  }
0x2e: {  	s14 =	simm.s32 $0x80  }
0x2f: {  	[tilespmem:s14], [sflag:$0x1] =	stream.indirect_vreg.gather [hbm4b:s1+s3], $0x80, v4, vm0, $0xb8;
	[tilespmem:$0x8100] =	vst v63  }
0x30: {  	s15 =	simm.s32 $0x880;
	v3 =	vperm.xlane v3, v2  }
0x31: {  	[tilespmem:s15], [sflag:$0x1] =	stream.indirect_vreg.gather [hbm4b:s5+s3], $0x80, v4, vm0, $0xb8;
	[tilespmem:$0x8100] =	vst v63  }
0x32: {  	v3 =	vadd.s32 v1, v3  }
0x33: {  	[tilespmem:s16], [sflag:$0x1] =	stream.indirect_vreg.gather [hbm4b:s6+s3], $0x80, v4, vm0, $0xb8;
	[tilespmem:$0x8100] =	vst v63  }
0x34: {  	_ = 	snop  }
0x35: {  	[tilespmem:s17], [sflag:$0x1] =	stream.indirect_vreg.gather [hbm4b:s7+s3], $0x80, v4, vm0, $0xb8;
	[tilespmem:$0x8100] =	vst v63  }
0x36: {  	_ = 	snop  }
0x37: {  	[tilespmem:s18], [sflag:$0x1] =	stream.indirect_vreg.gather [hbm4b:s1+s3], $0x80, v3, vm0, $0xb8;
	[tilespmem:$0x8100] =	vst v63  }
0x38: {  	_ = 	snop  }
0x39: {  	[tilespmem:s19], [sflag:$0x1] =	stream.indirect_vreg.gather [hbm4b:s5+s3], $0x80, v3, vm0, $0xb8;
	[tilespmem:$0x8100] =	vst v63  }
0x3a: {  	_ = 	snop  }
0x3b: {  	[tilespmem:s20], [sflag:$0x1] =	stream.indirect_vreg.gather [hbm4b:s6+s3], $0x80, v3, vm0, $0xb8;
	[tilespmem:$0x8100] =	vst v63  }
0x3c: {  	_ = 	snop  }
0x3d: {  	[tilespmem:s21], [sflag:$0x1] =	stream.indirect_vreg.gather [hbm4b:s7+s3], $0x80, v3, vm0, $0xb8;
	[tilespmem:$0x8100] =	vst v63  }
0x3e: {  	v3 =	vld [tilespmem:$0x10];
	_ =	sdelay $0x4  }
0x3f: {  	v38 =	vshll.u32 v3, $0x3  }
0x40: {  	v3 =	vand.u32 $0x7, v3;
	v4 =	vand.u32 $0xFFFFFFC0, v38  }
0x41: {  	v3 =	vor.u32 v3, v4  }
0x42: {  	v4 =	vperm.xlane v3, v0;
	_ =	sdelay $0x1  }
0x43: {  	v4 =	vadd.s32 v1, v4;
	_ =	sdelay $0x4  }
0x44: {  	[tilespmem:s22], [sflag:$0x1] =	stream.indirect_vreg.gather [hbm4b:s1+s3], $0x80, v4, vm0, $0xb8;
	[tilespmem:$0x8100] =	vst v63  }
0x45: {  	v3 =	vperm.xlane v3, v2  }
0x46: {  	[tilespmem:s23], [sflag:$0x1] =	stream.indirect_vreg.gather [hbm4b:s5+s3], $0x80, v4, vm0, $0xb8;
	[tilespmem:$0x8100] =	vst v63  }
0x47: {  	v3 =	vadd.s32 v1, v3  }
0x48: {  	[tilespmem:s24], [sflag:$0x1] =	stream.indirect_vreg.gather [hbm4b:s6+s3], $0x80, v4, vm0, $0xb8;
	[tilespmem:$0x8100] =	vst v63  }
0x49: {  	_ = 	snop  }
0x4a: {  	[tilespmem:s25], [sflag:$0x1] =	stream.indirect_vreg.gather [hbm4b:s7+s3], $0x80, v4, vm0, $0xb8;
	[tilespmem:$0x8100] =	vst v63  }
0x4b: {  	_ = 	snop  }
0x4c: {  	[tilespmem:s26], [sflag:$0x1] =	stream.indirect_vreg.gather [hbm4b:s1+s3], $0x80, v3, vm0, $0xb8;
	[tilespmem:$0x8100] =	vst v63  }
0x4d: {  	_ = 	snop  }
0x4e: {  	[tilespmem:s28], [sflag:$0x1] =	stream.indirect_vreg.gather [hbm4b:s5+s3], $0x80, v3, vm0, $0xb8;
	[tilespmem:$0x8100] =	vst v63  }
0x4f: {  	_ = 	snop  }
0x50: {  	[tilespmem:s29], [sflag:$0x1] =	stream.indirect_vreg.gather [hbm4b:s6+s3], $0x80, v3, vm0, $0xb8;
	[tilespmem:$0x8100] =	vst v63  }
0x51: {  	_ = 	snop  }
0x52: {  	[tilespmem:s30], [sflag:$0x1] =	stream.indirect_vreg.gather [hbm4b:s7+s3], $0x80, v3, vm0, $0xb8;
	[tilespmem:$0x8100] =	vst v63  }
0x53: {  	_ =	swait.ge [sflag:s31], $0x8000  }
0x54: {  	[sflag:s31] =	ssyncset.done $0x0  }
0x55: {  	[sflag:s31] =	ssyncadd.s32 $0xFFFF8000  }
0x56: {  	v3 =	vld [tilespmem:s8+$0x0]  }
0x57: {  	v39 =	vld [tilespmem:s8+$0x80]  }
0x58: {  	v5 =	vld [tilespmem:s8+$0x100]  }
0x59: {  	v6 =	vld [tilespmem:s8+$0x180]  }
0x5a: {  	v7 =	vld [tilespmem:s8+$0x200]  }
0x5b: {  	s2 =	rddreg [dreg:$0x5];
	v8 =	vld [tilespmem:s8+$0x280]  }
0x5c: {  	s14 =	rddreg [dreg:$0x6];
	v40 =	vld [tilespmem:s2+$0x80];
	v3 =	vsel vm1, v3, v39  }
0x5d: {  	s15 =	rddreg [dreg:$0x7];
	v41 =	vld [tilespmem:s14+$0x80];
	v3 =	vsel vm2, v3, v5  }
0x5e: {  	s2 =	rddreg [dreg:$0x8];
	v42 =	vld [tilespmem:s15+$0x0];
	v3 =	vsel vm3, v3, v6  }
0x5f: {  	s14 =	rddreg [dreg:$0x9];
	v43 =	vld [tilespmem:s2+$0x0];
	v3 =	vsel vm4, v3, v7  }
0x60: {  	s15 =	rddreg [dreg:$0xa];
	v44 =	vld [tilespmem:s14+$0x0];
	v3 =	vsel vm5, v3, v8  }
0x61: {  	s2 =	rddreg [dreg:$0xb];
	v45 =	vld [tilespmem:s15+$0x0];
	v3 =	vsel vm6, v3, v40  }
0x62: {  	s14 =	rddreg [dreg:$0xc];
	v46 =	vld [tilespmem:s2+$0x0];
	v3 =	vsel vm7, v3, v41  }
0x63: {  	s15 =	rddreg [dreg:$0xd];
	v47 =	vld [tilespmem:s14+$0x0];
	v3 =	vsel vm8, v3, v42  }
0x64: {  	v48 =	vld [tilespmem:s15+$0x0];
	v3 =	vsel vm9, v3, v43  }
0x65: {  	v49 =	vld [tilespmem:s4+$0x2400];
	v3 =	vsel vm10, v3, v44  }
0x66: {  	v3 =	vsel vm11, v3, v45  }
0x67: {  	v3 =	vsel vm12, v3, v46  }
0x68: {  	v3 =	vsel vm13, v3, v47  }
0x69: {  	v3 =	vsel vm14, v3, v48  }
0x6a: {  	v3 =	vsel vm15, v3, v49  }
0x6b: {  	s2 =	rddreg [dreg:$0xe];
	[tilespmem:$0x8080] =	vst v3  }
0x6c: {  	s14 =	rddreg [dreg:$0xf];
	v3 =	vld [tilespmem:s2+$0x0]  }
0x6d: {  	s15 =	rddreg [dreg:$0x10];
	v50 =	vld [tilespmem:s14+$0x0]  }
0x6e: {  	s2 =	rddreg [dreg:$0x11];
	v51 =	vld [tilespmem:s15+$0x0]  }
0x6f: {  	s14 =	rddreg [dreg:$0x12];
	v52 =	vld [tilespmem:s2+$0x0]  }
0x70: {  	s15 =	rddreg [dreg:$0x13];
	v53 =	vld [tilespmem:s14+$0x0]  }
0x71: {  	s2 =	rddreg [dreg:$0x14];
	v54 =	vld [tilespmem:s15+$0x0]  }
0x72: {  	v55 =	vld [tilespmem:s2+$0x0];
	v3 =	vsel vm1, v3, v50  }
0x73: {  	v56 =	vld [tilespmem:s4+$0x4410];
	s14 =	rddreg [dreg:$0x15];
	v3 =	vsel vm2, v3, v51  }
0x74: {  	s2 =	rddreg [dreg:$0x16];
	v57 =	vld [tilespmem:s14+$0x0];
	v3 =	vsel vm3, v3, v52  }
0x75: {  	s15 =	rddreg [dreg:$0x17];
	v58 =	vld [tilespmem:s2+$0x0];
	v3 =	vsel vm4, v3, v53  }
0x76: {  	s14 =	rddreg [dreg:$0x18];
	v9 =	vld [tilespmem:s15+$0x0];
	v3 =	vsel vm5, v3, v54  }
0x77: {  	s2 =	rddreg [dreg:$0x19];
	v59 =	vld [tilespmem:s14+$0x0];
	v3 =	vsel vm6, v3, v55  }
0x78: {  	v60 =	vld [tilespmem:s2+$0x0];
	v3 =	vsel vm7, v3, v56  }
0x79: {  	v61 =	vld [tilespmem:s9+$0x0];
	v3 =	vsel vm8, v3, v57  }
0x7a: {  	v62 =	vld [tilespmem:s10+$0x0];
	v3 =	vsel vm9, v3, v58  }
0x7b: {  	v63 =	vld [tilespmem:s4+$0x6410];
	v3 =	vsel vm10, v3, v9  }
0x7c: {  	v3 =	vsel vm11, v3, v59  }
0x7d: {  	v3 =	vsel vm12, v3, v60  }
0x7e: {  	v3 =	vsel vm13, v3, v61  }
0x7f: {  	v3 =	vsel vm14, v3, v62  }
0x80: {  	p0 =	sne.s32 s12, $0x1;
	v3 =	vsel vm15, v3, v63  }
.Ltmp0:
0x81: {  	[tilespmem:$0x8090] =	vst v3;
	(pc) =	sbr.rel @p0 .LBB2_1-.Ltmp0, $4  }
0x82: {  	[hbm4b:s11+s3] =	stream.linear.scatter [tilespmem:s0], [sflag:$0x2], $0x20, $0x38;
	[tilespmem:$0x8100] =	vst v63  }
0x83: {  	_ =	swait.ge [sflag:s13], $0x20  }
0x84: {  	[sflag:s13] =	ssyncset.done $0x0  }
0x85: {  	s12 =	sadd.s32 $0xFFFFFFFF, s12;
	[sflag:s13] =	ssyncadd.s32 $0xFFFFFFE0  }
0x86: {  	_ =	sfence.sel $0x180000  }
0x87: {  	[bflag:$0x0] =	sbarrier.arrive $0xFFFF  }
0x88: {  	_ =	strace $0x90000047  }
0x89: {  	s0 =	stileid.u32;
	[bflag:$0x2] =	sbarrier.arrive $0xFFFF  }
0x8a: {  	p0 =	sne.s32 s0, $0x0;
	s0 =	rddreg [dreg:$0x3]  }
0x8b: {  	s0 =	sadd.s32 @!p0 $0x100000, s0  }
0x8c: {  	[sflag:s0] =	ssyncadd.tile.s32 @!p0 $0x1;
	_ =	shalt  }
.Lfunc_end2:
_tile_overlayer_lowered:
.L_overlay_start_2:
0x8d: {  	(tag) =	ssettag $0x2  }
0x8e: {  	s0 =	rddreg [dreg:$0x0];
	s2 =	stileid.u32  }
0x8f: {  	s1 =	rddreg [dreg:$0x1];
	p0 =	sne.s32 s2, $0x0  }
0x90: {  	s3 =	rddreg [dreg:$0x2];
	[bflag:$0x3] =	sbarrier.arrive $0xFFFF;
	s2 =	simm.s32 @!p0 $0x1C02  }
0x91: {  	[timem:s3], [sflag:s2] =	dma.local @!p0 [hbm:s0], s1  }
0x92: {  	s0 =	simm.s32 @!p0 $0x2  }
0x93: {  	_ =	swait.ge @!p0 [sflag:s0], s1  }
0x94: {  	s1 =	ssub.s32 @!p0 $0x0, s1;
	[sflag:s0] =	ssyncset.done @!p0 $0x0  }
0x95: {  	[sflag:s0] =	ssyncadd.s32 @!p0 s1  }
0x96: {  	[bflag:$0x3] =	sbarrier.arrive $0xFFFF  }
0x97: {  	_ =	shalt  }

</sc_bundles>
